<compile_context>
chip_gen: v7x
topology: tpu7x:2x2x1
jax: 0.10.2.dev20260603
libtpu: 0.0.44.dev20260713+nightly
codegen_flags: <defaults>
</compile_context>

<pallas_src>
import functools

import jax
import jax.numpy as jnp
from jax import lax
from jax.experimental import pallas as pl
from jax.experimental.pallas import tpu as pltpu
from jax.experimental.pallas import tpu_sc as plsc


RB = 1024


def _topk_body(xr_ref, xa_ref, idx_ref):
    b = pl.program_id(0)
    rb = pl.program_id(1)
    xr = xr_ref[0]
    xa = xa_ref[0]
    n = xa.shape[0]

    x2r = jnp.sum(xr * xr, axis=1)
    x2a = jnp.sum(xa * xa, axis=1)
    gm2 = lax.dot_general(xr * -2.0, xa, (((1,), (1,)), ((), ())),
                          preferred_element_type=jnp.float32)
    col = lax.broadcasted_iota(jnp.int32, (RB, n), 1)
    row = rb * RB + lax.broadcasted_iota(jnp.int32, (RB, n), 0)
    colf = col.astype(jnp.float32)
    big = jnp.float32(3.0e38)
    nf = jnp.float32(n)
    d2 = jnp.where(
        col == row, big,
        jnp.sqrt(jnp.maximum((x2r[:, None] + x2a[None, :]) + gm2, 0.0)))

    offs = b * n
    for t in range(3):
        m = jnp.min(d2, axis=1)
        aminf = jnp.min(jnp.where(d2 == m[:, None], colf, nf), axis=1)
        idx_ref[0, t] = (aminf.astype(jnp.int32) + offs)[:, None]
        if t < 2:
            d2 = jnp.where(colf == aminf[:, None], big, d2)


def _top3_indices(features):
    B, N, D = features.shape
    grid = (B, N // RB)
    return pl.pallas_call(
        _topk_body,
        grid=grid,
        in_specs=[
            pl.BlockSpec((1, RB, D), lambda b, r: (b, r, 0)),
            pl.BlockSpec((1, N, D), lambda b, r: (b, 0, 0)),
        ],
        out_specs=pl.BlockSpec((1, 3, RB, 1), lambda b, r: (b, 0, r, 0)),
        out_shape=jax.ShapeDtypeStruct((B, 3, N, 1), jnp.int32),
    )(features, features)


_G = 16


def _make_sc_mix(BN, N, D, rows_per_w, info):
    NC = info.num_cores
    n_chunks = rows_per_w // _G
    n_pairs = n_chunks // 2
    mesh = plsc.VectorSubcoreMesh(core_axis_name="c", subcore_axis_name="s")
    groups = _G * D // 16

    @functools.partial(
        pl.kernel,
        mesh=mesh,
        out_type=jax.ShapeDtypeStruct((BN, D), jnp.float32),
        scratch_types=[
            pltpu.VMEM((rows_per_w,), jnp.int32),
            pltpu.VMEM((rows_per_w,), jnp.int32),
            pltpu.VMEM((rows_per_w,), jnp.int32),
            pltpu.VMEM((16,), jnp.float32),
            pltpu.VMEM((_G, D), jnp.float32),
            pltpu.VMEM((_G, D), jnp.float32),
            pltpu.VMEM((_G, D), jnp.float32),
            pltpu.VMEM((_G, D), jnp.float32),
            pltpu.VMEM((_G, D), jnp.float32),
            pltpu.VMEM((_G, D), jnp.float32),
            pltpu.VMEM((_G, D), jnp.float32),
            pltpu.VMEM((_G, D), jnp.float32),
            pltpu.VMEM((_G, D), jnp.float32),
            pltpu.VMEM((_G, D), jnp.float32),
            pltpu.SemaphoreType.DMA,
            pltpu.SemaphoreType.DMA,
            pltpu.SemaphoreType.DMA,
            pltpu.SemaphoreType.DMA,
        ],
    )
    def sc_mix(feat_hbm, idx_hbm, sv_hbm, out_hbm,
               i0_v, i1_v, i2_v, sv_v,
               oA, g0A, g1A, g2A, obA,
               oB, g0B, g1B, g2B, obB,
               inA, inB, outA, outB):
        wid = lax.axis_index("s") * NC + lax.axis_index("c")
        base = wid * rows_per_w
        b = base // N
        n0 = base - b * N
        cps = [
            pltpu.async_copy(
                idx_hbm.at[pl.ds((b * 3 + j) * N + n0, rows_per_w)], iv, inA)
            for j, iv in enumerate((i0_v, i1_v, i2_v))
        ]
        cps.append(pltpu.async_copy(sv_hbm, sv_v, inA))
        for cp in cps:
            cp.wait()
        s = jnp.clip(sv_v[...], 0.0, 1.0)
        ws = 1.0 - s
        wn = s * jnp.float32(1.0 / 3.0)

        def issue_in(c, o_b, g0_b, g1_b, g2_b, sem):
            rbase = base + c * _G
            pltpu.async_copy(feat_hbm.at[pl.ds(rbase, _G)], o_b, sem)
            pltpu.async_copy(feat_hbm.at[i0_v[pl.ds(c * _G, _G)]], g0_b, sem)
            pltpu.async_copy(feat_hbm.at[i1_v[pl.ds(c * _G, _G)]], g1_b, sem)
            pltpu.async_copy(feat_hbm.at[i2_v[pl.ds(c * _G, _G)]], g2_b, sem)

        def wait_in(o_b, g0_b, g1_b, g2_b, sem):
            for buf in (o_b, g0_b, g1_b, g2_b):
                pltpu.make_async_copy(feat_hbm.at[pl.ds(0, _G)], buf, sem).wait()

        def compute(o_b, g0_b, g1_b, g2_b, ob_b):
            @plsc.parallel_loop(0, groups, 1, unroll=16)
            def _(i):
                r = lax.shift_right_logical(i, 5)
                sl = pl.ds((i & 31) * 16, 16)
                acc = g0_b[r, sl] + g1_b[r, sl] + g2_b[r, sl]
                ob_b[r, sl] = ws * o_b[r, sl] + wn * acc

        def issue_out(c, ob_b, sem):
            pltpu.async_copy(ob_b, out_hbm.at[pl.ds(base + c * _G, _G)], sem)

        def wait_out(ob_b, sem):
            pltpu.make_async_copy(ob_b, out_hbm.at[pl.ds(0, _G)], sem).wait()

        issue_in(0, oA, g0A, g1A, g2A, inA)
        issue_in(1, oB, g0B, g1B, g2B, inB)

        def pair(g, carry):
            cA = 2 * g
            cB = cA + 1
            wait_in(oA, g0A, g1A, g2A, inA)
            pl.when(g > 0)(lambda: wait_out(obA, outA))
            compute(oA, g0A, g1A, g2A, obA)
            issue_out(cA, obA, outA)
            pl.when(g < n_pairs - 1)(
                lambda: issue_in(cA + 2, oA, g0A, g1A, g2A, inA))

            wait_in(oB, g0B, g1B, g2B, inB)
            pl.when(g > 0)(lambda: wait_out(obB, outB))
            compute(oB, g0B, g1B, g2B, obB)
            issue_out(cB, obB, outB)
            pl.when(g < n_pairs - 1)(
                lambda: issue_in(cB + 2, oB, g0B, g1B, g2B, inB))
            return carry

        lax.fori_loop(0, n_pairs, pair, 0)
        wait_out(obA, outA)
        wait_out(obB, outB)

    return sc_mix


def kernel(features, strength):
    B, N, D = features.shape
    BN = B * N
    info = plsc.get_sparse_core_info()
    NW = info.num_cores * info.num_subcores
    rows_per_w = BN // NW

    sv = jnp.full((16,), strength, jnp.float32)
    idx = _top3_indices(features)
    sc_mix = _make_sc_mix(BN, N, D, rows_per_w, info)
    out = sc_mix(features.reshape(BN, D), idx.reshape(3 * BN), sv)
    return out.reshape(B, N, D)

# --- scband reference (transcript-rebuilt; emitter-appended) ---
"""Pipeline reference for scband-paracrine-cascade-47253230190597 (READ-ONLY COPY).

The authoritative reference and input builder live on the scoring server;
editing this copy changes nothing except your own understanding.
"""

import jax, jax.numpy as jnp
import numpy as np


def setup_inputs(seed: int = 0) -> dict:
    key = jax.random.key(seed)
    k1, k2 = jax.random.split(key)
    features = jax.random.normal(k1, (4, 2048, 512), dtype=jnp.float32)
    strength = jax.random.uniform(k2, (), dtype=jnp.float32)
    return {"features": features, "strength": strength}


def reference(features, strength):
    B, N, D = features.shape
    if N <= 1:
        return features
    k = min(3, N - 1)
    x = jax.lax.stop_gradient(features)
    # pairwise euclidean distances (torch.cdist equivalent)
    x2 = jnp.sum(x * x, axis=-1)
    d2 = x2[:, :, None] + x2[:, None, :] - 2.0 * jnp.einsum('bnd,bmd->bnm', x, x)
    dist = jnp.sqrt(jnp.clip(d2, 0.0, None))
    eye = jnp.eye(N, dtype=x.dtype)[None, :, :]
    dist = dist + eye * 1000000.0
    # k smallest -> top_k of negated distances
    _, idx = jax.lax.top_k(-dist, k)  # idx: (B, N, k)
    gathered = jax.vmap(lambda xb, ib: xb[ib])(x, idx)  # (B, N, k, D)
    mix = jnp.mean(gathered, axis=2)
    s = jnp.clip(strength, 0.0, 1.0)
    return (1.0 - s) * features + s * mix

if __name__ == "__main__":
    import jax
    _d = setup_inputs()
    print(jax.jit(kernel)(*tuple(_d.values())))

</pallas_src>

<mosaic_0001>
#map = affine_map<(d0, d1) -> (0, 0)>
#map1 = affine_map<(d0, d1) -> (0)>
module attributes {stable_mosaic.version = 14 : i64} {
  func.func @sc_mix(%arg0: i32, %arg1: i32, %arg2: memref<8192x512xf32, #tpu.memory_space<hbm>>, %arg3: memref<24576xi32, #tpu.memory_space<hbm>>, %arg4: memref<16xf32, #tpu.memory_space<hbm>>, %arg5: memref<8192x512xf32, #tpu.memory_space<hbm>>, %arg6: memref<256xi32, #tpu.memory_space<vmem>>, %arg7: memref<256xi32, #tpu.memory_space<vmem>>, %arg8: memref<256xi32, #tpu.memory_space<vmem>>, %arg9: memref<16xf32, #tpu.memory_space<vmem>>, %arg10: memref<16x512xf32, #tpu.memory_space<vmem>>, %arg11: memref<16x512xf32, #tpu.memory_space<vmem>>, %arg12: memref<16x512xf32, #tpu.memory_space<vmem>>, %arg13: memref<16x512xf32, #tpu.memory_space<vmem>>, %arg14: memref<16x512xf32, #tpu.memory_space<vmem>>, %arg15: memref<16x512xf32, #tpu.memory_space<vmem>>, %arg16: memref<16x512xf32, #tpu.memory_space<vmem>>, %arg17: memref<16x512xf32, #tpu.memory_space<vmem>>, %arg18: memref<16x512xf32, #tpu.memory_space<vmem>>, %arg19: memref<16x512xf32, #tpu.memory_space<vmem>>, %arg20: memref<!tpu.dma_semaphore, #tpu.memory_space<semaphore_mem>>, %arg21: memref<!tpu.dma_semaphore, #tpu.memory_space<semaphore_mem>>, %arg22: memref<!tpu.dma_semaphore, #tpu.memory_space<semaphore_mem>>, %arg23: memref<!tpu.dma_semaphore, #tpu.memory_space<semaphore_mem>>) attributes {dimension_semantics = [#tpu.dimension_semantics<core_parallel>, #tpu.dimension_semantics<subcore_parallel>], iteration_bounds = array<i64: 2, 16>, scalar_prefetch = 0 : i64, scratch_operands = 18 : i64, tpu.core_type = #tpu.core_type<sc_vector_subcore>, window_params = [{transform_indices = #map}, {transform_indices = #map1}, {transform_indices = #map1}, {transform_indices = #map}]} {
    %mul3A = arith.constant 2 : i32
    %mul3A_0 = arith.muli %arg1, %mul3A : i32
    %add3A = arith.addi %mul3A_0, %arg0 : i32
    %mul3A_1 = arith.constant 256 : i32
    %mul3A_2 = arith.muli %add3A, %mul3A_1 : i32
    %jit3A = arith.constant 2048 : i32
    %div3A = arith.divsi %mul3A_2, %jit3A : i32
    %sign3A = arith.constant 0 : i32
    %sign3A_3 = arith.cmpi sgt, %mul3A_2, %sign3A : i32
    %sign3A_4 = arith.extui %sign3A_3 : i1 to i32
    %sign3A_5 = arith.constant 0 : i32
    %sign3A_6 = arith.cmpi slt, %mul3A_2, %sign3A_5 : i32
    %sign3A_7 = arith.extui %sign3A_6 : i1 to i32
    %sign3A_8 = arith.subi %sign3A_4, %sign3A_7 : i32
    %sign3A_9 = arith.constant 0 : i32
    %sign3A_10 = arith.cmpi sgt, %jit3A, %sign3A_9 : i32
    %sign3A_11 = arith.extui %sign3A_10 : i1 to i32
    %sign3A_12 = arith.constant 0 : i32
    %sign3A_13 = arith.cmpi slt, %jit3A, %sign3A_12 : i32
    %sign3A_14 = arith.extui %sign3A_13 : i1 to i32
    %sign3A_15 = arith.subi %sign3A_11, %sign3A_14 : i32
    %ne3A = arith.cmpi ne, %sign3A_8, %sign3A_15 : i32
    %rem3A = arith.remsi %mul3A_2, %jit3A : i32
    %ne3A_16 = arith.constant 0 : i32
    %ne3A_17 = arith.cmpi ne, %rem3A, %ne3A_16 : i32
    %and3A = arith.andi %ne3A, %ne3A_17 : i1
    %sub3A = arith.constant 1 : i32
    %sub3A_18 = arith.subi %div3A, %sub3A : i32
    %select_n3A = arith.select %and3A, %sub3A_18, %div3A : i32
    %mul3A_19 = arith.constant 2048 : i32
    %mul3A_20 = arith.muli %select_n3A, %mul3A_19 : i32
    %sub3A_21 = arith.subi %mul3A_2, %mul3A_20 : i32
    %mul3A_22 = arith.constant 3 : i32
    %mul3A_23 = arith.muli %select_n3A, %mul3A_22 : i32
    %add3A_24 = arith.constant 0 : i32
    %add3A_25 = arith.addi %mul3A_23, %add3A_24 : i32
    %mul3A_26 = arith.constant 2048 : i32
    %mul3A_27 = arith.muli %add3A_25, %mul3A_26 : i32
    %add3A_28 = arith.addi %mul3A_27, %sub3A_21 : i32
    %dma_start3A = tpu.memref_slice %arg3[%add3A_28] : memref<24576xi32, #tpu.memory_space<hbm>> -> memref<256xi32, #tpu.memory_space<hbm>>
    %dma_start3A_29 = tpu.memref_slice %arg3[%add3A_28] : memref<24576xi32, #tpu.memory_space<hbm>> -> memref<256xi32, #tpu.memory_space<hbm>>
    tpu.enqueue_dma source(%dma_start3A_29 : memref<256xi32, #tpu.memory_space<hbm>>) target(%arg6 : memref<256xi32, #tpu.memory_space<vmem>>) target_semaphore(%arg20 : memref<!tpu.dma_semaphore, #tpu.memory_space<semaphore_mem>>)
    %mul3A_30 = arith.constant 3 : i32
    %mul3A_31 = arith.muli %select_n3A, %mul3A_30 : i32
    %add3A_32 = arith.constant 1 : i32
    %add3A_33 = arith.addi %mul3A_31, %add3A_32 : i32
    %mul3A_34 = arith.constant 2048 : i32
    %mul3A_35 = arith.muli %add3A_33, %mul3A_34 : i32
    %add3A_36 = arith.addi %mul3A_35, %sub3A_21 : i32
    %dma_start3A_37 = tpu.memref_slice %arg3[%add3A_36] : memref<24576xi32, #tpu.memory_space<hbm>> -> memref<256xi32, #tpu.memory_space<hbm>>
    %dma_start3A_38 = tpu.memref_slice %arg3[%add3A_36] : memref<24576xi32, #tpu.memory_space<hbm>> -> memref<256xi32, #tpu.memory_space<hbm>>
    tpu.enqueue_dma source(%dma_start3A_38 : memref<256xi32, #tpu.memory_space<hbm>>) target(%arg7 : memref<256xi32, #tpu.memory_space<vmem>>) target_semaphore(%arg20 : memref<!tpu.dma_semaphore, #tpu.memory_space<semaphore_mem>>)
    %mul3A_39 = arith.constant 3 : i32
    %mul3A_40 = arith.muli %select_n3A, %mul3A_39 : i32
    %add3A_41 = arith.constant 2 : i32
    %add3A_42 = arith.addi %mul3A_40, %add3A_41 : i32
    %mul3A_43 = arith.constant 2048 : i32
    %mul3A_44 = arith.muli %add3A_42, %mul3A_43 : i32
    %add3A_45 = arith.addi %mul3A_44, %sub3A_21 : i32
    %dma_start3A_46 = tpu.memref_slice %arg3[%add3A_45] : memref<24576xi32, #tpu.memory_space<hbm>> -> memref<256xi32, #tpu.memory_space<hbm>>
    %dma_start3A_47 = tpu.memref_slice %arg3[%add3A_45] : memref<24576xi32, #tpu.memory_space<hbm>> -> memref<256xi32, #tpu.memory_space<hbm>>
    tpu.enqueue_dma source(%dma_start3A_47 : memref<256xi32, #tpu.memory_space<hbm>>) target(%arg8 : memref<256xi32, #tpu.memory_space<vmem>>) target_semaphore(%arg20 : memref<!tpu.dma_semaphore, #tpu.memory_space<semaphore_mem>>)
    tpu.enqueue_dma source(%arg4 : memref<16xf32, #tpu.memory_space<hbm>>) target(%arg9 : memref<16xf32, #tpu.memory_space<vmem>>) target_semaphore(%arg20 : memref<!tpu.dma_semaphore, #tpu.memory_space<semaphore_mem>>)
    %dma_wait3A = tpu.memref_slice %arg3[%add3A_28] : memref<24576xi32, #tpu.memory_space<hbm>> -> memref<256xi32, #tpu.memory_space<hbm>>
    %dma_wait3A_48 = tpu.memref_slice %arg3[%add3A_28] : memref<24576xi32, #tpu.memory_space<hbm>> -> memref<256xi32, #tpu.memory_space<hbm>>
    tpu.wait_dma2 semaphore(%arg20 : memref<!tpu.dma_semaphore, #tpu.memory_space<semaphore_mem>>) src(%dma_wait3A_48 : memref<256xi32, #tpu.memory_space<hbm>>) dst(%arg6 : memref<256xi32, #tpu.memory_space<vmem>>)
    %dma_wait3A_49 = tpu.memref_slice %arg3[%add3A_36] : memref<24576xi32, #tpu.memory_space<hbm>> -> memref<256xi32, #tpu.memory_space<hbm>>
    %dma_wait3A_50 = tpu.memref_slice %arg3[%add3A_36] : memref<24576xi32, #tpu.memory_space<hbm>> -> memref<256xi32, #tpu.memory_space<hbm>>
    tpu.wait_dma2 semaphore(%arg20 : memref<!tpu.dma_semaphore, #tpu.memory_space<semaphore_mem>>) src(%dma_wait3A_50 : memref<256xi32, #tpu.memory_space<hbm>>) dst(%arg7 : memref<256xi32, #tpu.memory_space<vmem>>)
    %dma_wait3A_51 = tpu.memref_slice %arg3[%add3A_45] : memref<24576xi32, #tpu.memory_space<hbm>> -> memref<256xi32, #tpu.memory_space<hbm>>
    %dma_wait3A_52 = tpu.memref_slice %arg3[%add3A_45] : memref<24576xi32, #tpu.memory_space<hbm>> -> memref<256xi32, #tpu.memory_space<hbm>>
    tpu.wait_dma2 semaphore(%arg20 : memref<!tpu.dma_semaphore, #tpu.memory_space<semaphore_mem>>) src(%dma_wait3A_52 : memref<256xi32, #tpu.memory_space<hbm>>) dst(%arg8 : memref<256xi32, #tpu.memory_space<vmem>>)
    tpu.wait_dma2 semaphore(%arg20 : memref<!tpu.dma_semaphore, #tpu.memory_space<semaphore_mem>>) src(%arg4 : memref<16xf32, #tpu.memory_space<hbm>>) dst(%arg9 : memref<16xf32, #tpu.memory_space<vmem>>)
    %get3A = arith.constant 0 : index
    %get3A_53 = tpu.vector_load %arg9[%get3A] {strides = array<i32>} : memref<16xf32, #tpu.memory_space<vmem>>, vector<16xf32>,
    %get3A_54 = vector.shape_cast %get3A_53 : vector<16xf32> to vector<16xf32>
    %jit3A_55 = arith.constant 0.000000e+00 : f32
    %jit3A_56 = arith.constant 1.000000e+00 : f32
    %max3A = vector.broadcast %jit3A_55 : f32 to vector<16xf32>
    %max3A_57 = arith.maximumf %max3A, %get3A_54 : vector<16xf32>
    %min3A = vector.broadcast %jit3A_56 : f32 to vector<16xf32>
    %min3A_58 = arith.minimumf %min3A, %max3A_57 : vector<16xf32>
    %sub3A_59 = arith.constant 1.000000e+00 : f32
    %sub3A_60 = vector.broadcast %sub3A_59 : f32 to vector<16xf32>
    %sub3A_61 = arith.subf %sub3A_60, %min3A_58 : vector<16xf32>
    %mul3A_62 = arith.constant 0.333333343 : f32
    %mul3A_63 = vector.broadcast %mul3A_62 : f32 to vector<16xf32>
    %mul3A_64 = arith.mulf %min3A_58, %mul3A_63 : vector<16xf32>
    %add3A_65 = arith.constant 0 : i32
    %add3A_66 = arith.addi %mul3A_2, %add3A_65 : i32
    %dma_start3A_67 = arith.constant 0 : i32
    %dma_start3A_68 = tpu.memref_slice %arg2[%add3A_66, %dma_start3A_67] : memref<8192x512xf32, #tpu.memory_space<hbm>> -> memref<16x512xf32, #tpu.memory_space<hbm>>
    %dma_start3A_69 = arith.constant 0 : i32
    %dma_start3A_70 = tpu.memref_slice %arg2[%add3A_66, %dma_start3A_69] : memref<8192x512xf32, #tpu.memory_space<hbm>> -> memref<16x512xf32, #tpu.memory_space<hbm>>
    tpu.enqueue_dma source(%dma_start3A_70 : memref<16x512xf32, #tpu.memory_space<hbm>>) target(%arg10 : memref<16x512xf32, #tpu.memory_space<vmem>>) target_semaphore(%arg20 : memref<!tpu.dma_semaphore, #tpu.memory_space<semaphore_mem>>)
    %get3A_71 = arith.constant 0 : index
    %get3A_72 = tpu.vector_load %arg6[%get3A_71] {strides = array<i32>} : memref<256xi32, #tpu.memory_space<vmem>>, vector<16xi32>,
    %get3A_73 = vector.shape_cast %get3A_72 : vector<16xi32> to vector<16xi32>
    %dma_start3A_74 = arith.constant 0 : i32
    %dma_start3A_75 = arith.constant 0 : i32
    %dma_start3A_76 = tpu.memref_slice %arg2[%dma_start3A_74, %dma_start3A_75] : memref<8192x512xf32, #tpu.memory_space<hbm>> -> memref<8192x512xf32, #tpu.memory_space<hbm>>
    tpu.enqueue_indirect_dma source(%dma_start3A_76 : memref<8192x512xf32, #tpu.memory_space<hbm>>) target(%arg11 : memref<16x512xf32, #tpu.memory_space<vmem>>) offsets(%get3A_73 : vector<16xi32>) semaphore(%arg20 : memref<!tpu.dma_semaphore, #tpu.memory_space<semaphore_mem>>)
    %get3A_77 = arith.constant 0 : index
    %get3A_78 = tpu.vector_load %arg7[%get3A_77] {strides = array<i32>} : memref<256xi32, #tpu.memory_space<vmem>>, vector<16xi32>,
    %get3A_79 = vector.shape_cast %get3A_78 : vector<16xi32> to vector<16xi32>
    %dma_start3A_80 = arith.constant 0 : i32
    %dma_start3A_81 = arith.constant 0 : i32
    %dma_start3A_82 = tpu.memref_slice %arg2[%dma_start3A_80, %dma_start3A_81] : memref<8192x512xf32, #tpu.memory_space<hbm>> -> memref<8192x512xf32, #tpu.memory_space<hbm>>
    tpu.enqueue_indirect_dma source(%dma_start3A_82 : memref<8192x512xf32, #tpu.memory_space<hbm>>) target(%arg12 : memref<16x512xf32, #tpu.memory_space<vmem>>) offsets(%get3A_79 : vector<16xi32>) semaphore(%arg20 : memref<!tpu.dma_semaphore, #tpu.memory_space<semaphore_mem>>)
    %get3A_83 = arith.constant 0 : index
    %get3A_84 = tpu.vector_load %arg8[%get3A_83] {strides = array<i32>} : memref<256xi32, #tpu.memory_space<vmem>>, vector<16xi32>,
    %get3A_85 = vector.shape_cast %get3A_84 : vector<16xi32> to vector<16xi32>
    %dma_start3A_86 = arith.constant 0 : i32
    %dma_start3A_87 = arith.constant 0 : i32
    %dma_start3A_88 = tpu.memref_slice %arg2[%dma_start3A_86, %dma_start3A_87] : memref<8192x512xf32, #tpu.memory_space<hbm>> -> memref<8192x512xf32, #tpu.memory_space<hbm>>
    tpu.enqueue_indirect_dma source(%dma_start3A_88 : memref<8192x512xf32, #tpu.memory_space<hbm>>) target(%arg13 : memref<16x512xf32, #tpu.memory_space<vmem>>) offsets(%get3A_85 : vector<16xi32>) semaphore(%arg20 : memref<!tpu.dma_semaphore, #tpu.memory_space<semaphore_mem>>)
    %add3A_89 = arith.constant 16 : i32
    %add3A_90 = arith.addi %mul3A_2, %add3A_89 : i32
    %dma_start3A_91 = arith.constant 0 : i32
    %dma_start3A_92 = tpu.memref_slice %arg2[%add3A_90, %dma_start3A_91] : memref<8192x512xf32, #tpu.memory_space<hbm>> -> memref<16x512xf32, #tpu.memory_space<hbm>>
    %dma_start3A_93 = arith.constant 0 : i32
    %dma_start3A_94 = tpu.memref_slice %arg2[%add3A_90, %dma_start3A_93] : memref<8192x512xf32, #tpu.memory_space<hbm>> -> memref<16x512xf32, #tpu.memory_space<hbm>>
    tpu.enqueue_dma source(%dma_start3A_94 : memref<16x512xf32, #tpu.memory_space<hbm>>) target(%arg15 : memref<16x512xf32, #tpu.memory_space<vmem>>) target_semaphore(%arg21 : memref<!tpu.dma_semaphore, #tpu.memory_space<semaphore_mem>>)
    %get3A_95 = arith.constant 16 : index
    %get3A_96 = tpu.vector_load %arg6[%get3A_95] {strides = array<i32>} : memref<256xi32, #tpu.memory_space<vmem>>, vector<16xi32>,
    %get3A_97 = vector.shape_cast %get3A_96 : vector<16xi32> to vector<16xi32>
    %dma_start3A_98 = arith.constant 0 : i32
    %dma_start3A_99 = arith.constant 0 : i32
    %dma_start3A_100 = tpu.memref_slice %arg2[%dma_start3A_98, %dma_start3A_99] : memref<8192x512xf32, #tpu.memory_space<hbm>> -> memref<8192x512xf32, #tpu.memory_space<hbm>>
    tpu.enqueue_indirect_dma source(%dma_start3A_100 : memref<8192x512xf32, #tpu.memory_space<hbm>>) target(%arg16 : memref<16x512xf32, #tpu.memory_space<vmem>>) offsets(%get3A_97 : vector<16xi32>) semaphore(%arg21 : memref<!tpu.dma_semaphore, #tpu.memory_space<semaphore_mem>>)
    %get3A_101 = arith.constant 16 : index
    %get3A_102 = tpu.vector_load %arg7[%get3A_101] {strides = array<i32>} : memref<256xi32, #tpu.memory_space<vmem>>, vector<16xi32>,
    %get3A_103 = vector.shape_cast %get3A_102 : vector<16xi32> to vector<16xi32>
    %dma_start3A_104 = arith.constant 0 : i32
    %dma_start3A_105 = arith.constant 0 : i32
    %dma_start3A_106 = tpu.memref_slice %arg2[%dma_start3A_104, %dma_start3A_105] : memref<8192x512xf32, #tpu.memory_space<hbm>> -> memref<8192x512xf32, #tpu.memory_space<hbm>>
    tpu.enqueue_indirect_dma source(%dma_start3A_106 : memref<8192x512xf32, #tpu.memory_space<hbm>>) target(%arg17 : memref<16x512xf32, #tpu.memory_space<vmem>>) offsets(%get3A_103 : vector<16xi32>) semaphore(%arg21 : memref<!tpu.dma_semaphore, #tpu.memory_space<semaphore_mem>>)
    %get3A_107 = arith.constant 16 : index
    %get3A_108 = tpu.vector_load %arg8[%get3A_107] {strides = array<i32>} : memref<256xi32, #tpu.memory_space<vmem>>, vector<16xi32>,
    %get3A_109 = vector.shape_cast %get3A_108 : vector<16xi32> to vector<16xi32>
    %dma_start3A_110 = arith.constant 0 : i32
    %dma_start3A_111 = arith.constant 0 : i32
    %dma_start3A_112 = tpu.memref_slice %arg2[%dma_start3A_110, %dma_start3A_111] : memref<8192x512xf32, #tpu.memory_space<hbm>> -> memref<8192x512xf32, #tpu.memory_space<hbm>>
    tpu.enqueue_indirect_dma source(%dma_start3A_112 : memref<8192x512xf32, #tpu.memory_space<hbm>>) target(%arg18 : memref<16x512xf32, #tpu.memory_space<vmem>>) offsets(%get3A_109 : vector<16xi32>) semaphore(%arg21 : memref<!tpu.dma_semaphore, #tpu.memory_space<semaphore_mem>>)
    %scan3A = arith.constant 0 : i32
    %scan3A_113 = arith.constant 0 : i32
    %scan3A_114 = arith.constant 8 : i32
    %scan3A_115 = arith.addi %scan3A_113, %scan3A_114 : i32
    %scan3A_116 = arith.constant 1 : i32
    scf.for %scan3A_130 = %scan3A_113 to %scan3A_115 step %scan3A_116  : i32 {
      %mul3A_131 = arith.constant 2 : i32
      %mul3A_132 = arith.muli %mul3A_131, %scan3A_130 : i32
      %add3A_133 = arith.constant 1 : i32
      %add3A_134 = arith.addi %mul3A_132, %add3A_133 : i32
      %dma_wait3A_135 = arith.constant 0 : i32
      %dma_wait3A_136 = arith.constant 0 : i32
      %dma_wait3A_137 = tpu.memref_slice %arg2[%dma_wait3A_135, %dma_wait3A_136] : memref<8192x512xf32, #tpu.memory_space<hbm>> -> memref<16x512xf32, #tpu.memory_space<hbm>>
      %dma_wait3A_138 = arith.constant 0 : i32
      %dma_wait3A_139 = arith.constant 0 : i32
      %dma_wait3A_140 = tpu.memref_slice %arg2[%dma_wait3A_138, %dma_wait3A_139] : memref<8192x512xf32, #tpu.memory_space<hbm>> -> memref<16x512xf32, #tpu.memory_space<hbm>>
      tpu.wait_dma2 semaphore(%arg20 : memref<!tpu.dma_semaphore, #tpu.memory_space<semaphore_mem>>) src(%dma_wait3A_140 : memref<16x512xf32, #tpu.memory_space<hbm>>) dst(%arg10 : memref<16x512xf32, #tpu.memory_space<vmem>>)
      %dma_wait3A_141 = arith.constant 0 : i32
      %dma_wait3A_142 = arith.constant 0 : i32
      %dma_wait3A_143 = tpu.memref_slice %arg2[%dma_wait3A_141, %dma_wait3A_142] : memref<8192x512xf32, #tpu.memory_space<hbm>> -> memref<16x512xf32, #tpu.memory_space<hbm>>
      %dma_wait3A_144 = arith.constant 0 : i32
      %dma_wait3A_145 = arith.constant 0 : i32
      %dma_wait3A_146 = tpu.memref_slice %arg2[%dma_wait3A_144, %dma_wait3A_145] : memref<8192x512xf32, #tpu.memory_space<hbm>> -> memref<16x512xf32, #tpu.memory_space<hbm>>
      tpu.wait_dma2 semaphore(%arg20 : memref<!tpu.dma_semaphore, #tpu.memory_space<semaphore_mem>>) src(%dma_wait3A_146 : memref<16x512xf32, #tpu.memory_space<hbm>>) dst(%arg11 : memref<16x512xf32, #tpu.memory_space<vmem>>)
      %dma_wait3A_147 = arith.constant 0 : i32
      %dma_wait3A_148 = arith.constant 0 : i32
      %dma_wait3A_149 = tpu.memref_slice %arg2[%dma_wait3A_147, %dma_wait3A_148] : memref<8192x512xf32, #tpu.memory_space<hbm>> -> memref<16x512xf32, #tpu.memory_space<hbm>>
      %dma_wait3A_150 = arith.constant 0 : i32
      %dma_wait3A_151 = arith.constant 0 : i32
      %dma_wait3A_152 = tpu.memref_slice %arg2[%dma_wait3A_150, %dma_wait3A_151] : memref<8192x512xf32, #tpu.memory_space<hbm>> -> memref<16x512xf32, #tpu.memory_space<hbm>>
      tpu.wait_dma2 semaphore(%arg20 : memref<!tpu.dma_semaphore, #tpu.memory_space<semaphore_mem>>) src(%dma_wait3A_152 : memref<16x512xf32, #tpu.memory_space<hbm>>) dst(%arg12 : memref<16x512xf32, #tpu.memory_space<vmem>>)
      %dma_wait3A_153 = arith.constant 0 : i32
      %dma_wait3A_154 = arith.constant 0 : i32
      %dma_wait3A_155 = tpu.memref_slice %arg2[%dma_wait3A_153, %dma_wait3A_154] : memref<8192x512xf32, #tpu.memory_space<hbm>> -> memref<16x512xf32, #tpu.memory_space<hbm>>
      %dma_wait3A_156 = arith.constant 0 : i32
      %dma_wait3A_157 = arith.constant 0 : i32
      %dma_wait3A_158 = tpu.memref_slice %arg2[%dma_wait3A_156, %dma_wait3A_157] : memref<8192x512xf32, #tpu.memory_space<hbm>> -> memref<16x512xf32, #tpu.memory_space<hbm>>
      tpu.wait_dma2 semaphore(%arg20 : memref<!tpu.dma_semaphore, #tpu.memory_space<semaphore_mem>>) src(%dma_wait3A_158 : memref<16x512xf32, #tpu.memory_space<hbm>>) dst(%arg13 : memref<16x512xf32, #tpu.memory_space<vmem>>)
      %gt3A = arith.constant 0 : i32
      %gt3A_159 = arith.cmpi sgt, %scan3A_130, %gt3A : i32
      %convert_element_type3A = arith.extui %gt3A_159 : i1 to i32
      %cond3A = arith.constant 0 : i32
      %cond3A_160 = arith.cmpi ne, %convert_element_type3A, %cond3A : i32
      scf.if %cond3A_160 {
        %dma_wait3A_218 = arith.constant 0 : i32
        %dma_wait3A_219 = arith.constant 0 : i32
        %dma_wait3A_220 = tpu.memref_slice %arg5[%dma_wait3A_218, %dma_wait3A_219] : memref<8192x512xf32, #tpu.memory_space<hbm>> -> memref<16x512xf32, #tpu.memory_space<hbm>>
        %dma_wait3A_221 = arith.constant 0 : i32
        %dma_wait3A_222 = arith.constant 0 : i32
        %dma_wait3A_223 = tpu.memref_slice %arg5[%dma_wait3A_221, %dma_wait3A_222] : memref<8192x512xf32, #tpu.memory_space<hbm>> -> memref<16x512xf32, #tpu.memory_space<hbm>>
        tpu.wait_dma2 semaphore(%arg22 : memref<!tpu.dma_semaphore, #tpu.memory_space<semaphore_mem>>) src(%arg14 : memref<16x512xf32, #tpu.memory_space<vmem>>) dst(%dma_wait3A_223 : memref<16x512xf32, #tpu.memory_space<hbm>>)
      } else {
      }
      %parallel_loop3A = arith.constant 0 : i32
      %parallel_loop3A_161 = arith.constant 512 : i32
      %parallel_loop3A_162 = arith.constant 1 : i32
      scf.for %parallel_loop3A_218 = %parallel_loop3A to %parallel_loop3A_161 step %parallel_loop3A_162  : i32 {
        %parallel_loop3A_219 = arith.constant 5 : i32
        %parallel_loop3A_220 = arith.shrui %parallel_loop3A_218, %parallel_loop3A_219 : i32
        %parallel_loop3A_221 = arith.constant 31 : i32
        %parallel_loop3A_222 = arith.andi %parallel_loop3A_218, %parallel_loop3A_221 : i32
        %parallel_loop3A_223 = arith.constant 16 : i32
        %parallel_loop3A_224 = arith.muli %parallel_loop3A_222, %parallel_loop3A_223 : i32
        %parallel_loop3A_225 = arith.index_cast %parallel_loop3A_220 : i32 to index
        %parallel_loop3A_226 = arith.index_cast %parallel_loop3A_224 : i32 to index
        %parallel_loop3A_227 = tpu.vector_load %arg11[%parallel_loop3A_225, %parallel_loop3A_226] {strides = array<i32>} : memref<16x512xf32, #tpu.memory_space<vmem>>, vector<1x16xf32>,
        %parallel_loop3A_228 = vector.shape_cast %parallel_loop3A_227 : vector<1x16xf32> to vector<16xf32>
        %parallel_loop3A_229 = arith.index_cast %parallel_loop3A_220 : i32 to index
        %parallel_loop3A_230 = arith.index_cast %parallel_loop3A_224 : i32 to index
        %parallel_loop3A_231 = tpu.vector_load %arg12[%parallel_loop3A_229, %parallel_loop3A_230] {strides = array<i32>} : memref<16x512xf32, #tpu.memory_space<vmem>>, vector<1x16xf32>,
        %parallel_loop3A_232 = vector.shape_cast %parallel_loop3A_231 : vector<1x16xf32> to vector<16xf32>
        %parallel_loop3A_233 = arith.addf %parallel_loop3A_228, %parallel_loop3A_232 : vector<16xf32>
        %parallel_loop3A_234 = arith.index_cast %parallel_loop3A_220 : i32 to index
        %parallel_loop3A_235 = arith.index_cast %parallel_loop3A_224 : i32 to index
        %parallel_loop3A_236 = tpu.vector_load %arg13[%parallel_loop3A_234, %parallel_loop3A_235] {strides = array<i32>} : memref<16x512xf32, #tpu.memory_space<vmem>>, vector<1x16xf32>,
        %parallel_loop3A_237 = vector.shape_cast %parallel_loop3A_236 : vector<1x16xf32> to vector<16xf32>
        %parallel_loop3A_238 = arith.addf %parallel_loop3A_233, %parallel_loop3A_237 : vector<16xf32>
        %parallel_loop3A_239 = arith.index_cast %parallel_loop3A_220 : i32 to index
        %parallel_loop3A_240 = arith.index_cast %parallel_loop3A_224 : i32 to index
        %parallel_loop3A_241 = tpu.vector_load %arg10[%parallel_loop3A_239, %parallel_loop3A_240] {strides = array<i32>} : memref<16x512xf32, #tpu.memory_space<vmem>>, vector<1x16xf32>,
        %parallel_loop3A_242 = vector.shape_cast %parallel_loop3A_241 : vector<1x16xf32> to vector<16xf32>
        %parallel_loop3A_243 = arith.mulf %sub3A_61, %parallel_loop3A_242 : vector<16xf32>
        %parallel_loop3A_244 = arith.mulf %mul3A_64, %parallel_loop3A_238 : vector<16xf32>
        %parallel_loop3A_245 = arith.addf %parallel_loop3A_243, %parallel_loop3A_244 : vector<16xf32>
        %parallel_loop3A_246 = arith.index_cast %parallel_loop3A_220 : i32 to index
        %parallel_loop3A_247 = arith.index_cast %parallel_loop3A_224 : i32 to index
        %parallel_loop3A_248 = tpu.vector_load %arg14[%parallel_loop3A_246, %parallel_loop3A_247] {strides = array<i32>} : memref<16x512xf32, #tpu.memory_space<vmem>>, vector<1x16xf32>,
        %parallel_loop3A_249 = vector.shape_cast %parallel_loop3A_248 : vector<1x16xf32> to vector<16xf32>
        %parallel_loop3A_250 = vector.shape_cast %parallel_loop3A_245 : vector<16xf32> to vector<1x16xf32>
        tpu.vector_store %arg14[%parallel_loop3A_246, %parallel_loop3A_247], %parallel_loop3A_250 {strides = array<i32>} : memref<16x512xf32, #tpu.memory_space<vmem>>, vector<1x16xf32>,
      } {sc.loop_unroll_factor = 16 : i64, sc.parallel_access}
      %mul3A_163 = arith.constant 16 : i32
      %mul3A_164 = arith.muli %mul3A_132, %mul3A_163 : i32
      %add3A_165 = arith.addi %mul3A_2, %mul3A_164 : i32
      %dma_start3A_166 = arith.constant 0 : i32
      %dma_start3A_167 = tpu.memref_slice %arg5[%add3A_165, %dma_start3A_166] : memref<8192x512xf32, #tpu.memory_space<hbm>> -> memref<16x512xf32, #tpu.memory_space<hbm>>
      %dma_start3A_168 = arith.constant 0 : i32
      %dma_start3A_169 = tpu.memref_slice %arg5[%add3A_165, %dma_start3A_168] : memref<8192x512xf32, #tpu.memory_space<hbm>> -> memref<16x512xf32, #tpu.memory_space<hbm>>
      tpu.enqueue_dma source(%arg14 : memref<16x512xf32, #tpu.memory_space<vmem>>) target(%dma_start3A_169 : memref<16x512xf32, #tpu.memory_space<hbm>>) target_semaphore(%arg22 : memref<!tpu.dma_semaphore, #tpu.memory_space<semaphore_mem>>)
      %lt3A = arith.constant 7 : i32
      %lt3A_170 = arith.cmpi slt, %scan3A_130, %lt3A : i32
      %convert_element_type3A_171 = arith.extui %lt3A_170 : i1 to i32
      %cond3A_172 = arith.constant 0 : i32
      %cond3A_173 = arith.cmpi ne, %convert_element_type3A_171, %cond3A_172 : i32
      scf.if %cond3A_173 {
        %add3A_218 = arith.constant 2 : i32
        %add3A_219 = arith.addi %mul3A_132, %add3A_218 : i32
        %mul3A_220 = arith.constant 16 : i32
        %mul3A_221 = arith.muli %add3A_219, %mul3A_220 : i32
        %add3A_222 = arith.addi %mul3A_2, %mul3A_221 : i32
        %dma_start3A_223 = arith.constant 0 : i32
        %dma_start3A_224 = tpu.memref_slice %arg2[%add3A_222, %dma_start3A_223] : memref<8192x512xf32, #tpu.memory_space<hbm>> -> memref<16x512xf32, #tpu.memory_space<hbm>>
        %dma_start3A_225 = arith.constant 0 : i32
        %dma_start3A_226 = tpu.memref_slice %arg2[%add3A_222, %dma_start3A_225] : memref<8192x512xf32, #tpu.memory_space<hbm>> -> memref<16x512xf32, #tpu.memory_space<hbm>>
        tpu.enqueue_dma source(%dma_start3A_226 : memref<16x512xf32, #tpu.memory_space<hbm>>) target(%arg10 : memref<16x512xf32, #tpu.memory_space<vmem>>) target_semaphore(%arg20 : memref<!tpu.dma_semaphore, #tpu.memory_space<semaphore_mem>>)
        %mul3A_227 = arith.constant 16 : i32
        %mul3A_228 = arith.muli %add3A_219, %mul3A_227 : i32
        %get3A_229 = arith.index_cast %mul3A_228 : i32 to index
        %get3A_230 = tpu.vector_load %arg6[%get3A_229] {strides = array<i32>} : memref<256xi32, #tpu.memory_space<vmem>>, vector<16xi32>,
        %get3A_231 = vector.shape_cast %get3A_230 : vector<16xi32> to vector<16xi32>
        %dma_start3A_232 = arith.constant 0 : i32
        %dma_start3A_233 = arith.constant 0 : i32
        %dma_start3A_234 = tpu.memref_slice %arg2[%dma_start3A_232, %dma_start3A_233] : memref<8192x512xf32, #tpu.memory_space<hbm>> -> memref<8192x512xf32, #tpu.memory_space<hbm>>
        tpu.enqueue_indirect_dma source(%dma_start3A_234 : memref<8192x512xf32, #tpu.memory_space<hbm>>) target(%arg11 : memref<16x512xf32, #tpu.memory_space<vmem>>) offsets(%get3A_231 : vector<16xi32>) semaphore(%arg20 : memref<!tpu.dma_semaphore, #tpu.memory_space<semaphore_mem>>)
        %mul3A_235 = arith.constant 16 : i32
        %mul3A_236 = arith.muli %add3A_219, %mul3A_235 : i32
        %get3A_237 = arith.index_cast %mul3A_236 : i32 to index
        %get3A_238 = tpu.vector_load %arg7[%get3A_237] {strides = array<i32>} : memref<256xi32, #tpu.memory_space<vmem>>, vector<16xi32>,
        %get3A_239 = vector.shape_cast %get3A_238 : vector<16xi32> to vector<16xi32>
        %dma_start3A_240 = arith.constant 0 : i32
        %dma_start3A_241 = arith.constant 0 : i32
        %dma_start3A_242 = tpu.memref_slice %arg2[%dma_start3A_240, %dma_start3A_241] : memref<8192x512xf32, #tpu.memory_space<hbm>> -> memref<8192x512xf32, #tpu.memory_space<hbm>>
        tpu.enqueue_indirect_dma source(%dma_start3A_242 : memref<8192x512xf32, #tpu.memory_space<hbm>>) target(%arg12 : memref<16x512xf32, #tpu.memory_space<vmem>>) offsets(%get3A_239 : vector<16xi32>) semaphore(%arg20 : memref<!tpu.dma_semaphore, #tpu.memory_space<semaphore_mem>>)
        %mul3A_243 = arith.constant 16 : i32
        %mul3A_244 = arith.muli %add3A_219, %mul3A_243 : i32
        %get3A_245 = arith.index_cast %mul3A_244 : i32 to index
        %get3A_246 = tpu.vector_load %arg8[%get3A_245] {strides = array<i32>} : memref<256xi32, #tpu.memory_space<vmem>>, vector<16xi32>,
        %get3A_247 = vector.shape_cast %get3A_246 : vector<16xi32> to vector<16xi32>
        %dma_start3A_248 = arith.constant 0 : i32
        %dma_start3A_249 = arith.constant 0 : i32
        %dma_start3A_250 = tpu.memref_slice %arg2[%dma_start3A_248, %dma_start3A_249] : memref<8192x512xf32, #tpu.memory_space<hbm>> -> memref<8192x512xf32, #tpu.memory_space<hbm>>
        tpu.enqueue_indirect_dma source(%dma_start3A_250 : memref<8192x512xf32, #tpu.memory_space<hbm>>) target(%arg13 : memref<16x512xf32, #tpu.memory_space<vmem>>) offsets(%get3A_247 : vector<16xi32>) semaphore(%arg20 : memref<!tpu.dma_semaphore, #tpu.memory_space<semaphore_mem>>)
      } else {
      }
      %dma_wait3A_174 = arith.constant 0 : i32
      %dma_wait3A_175 = arith.constant 0 : i32
      %dma_wait3A_176 = tpu.memref_slice %arg2[%dma_wait3A_174, %dma_wait3A_175] : memref<8192x512xf32, #tpu.memory_space<hbm>> -> memref<16x512xf32, #tpu.memory_space<hbm>>
      %dma_wait3A_177 = arith.constant 0 : i32
      %dma_wait3A_178 = arith.constant 0 : i32
      %dma_wait3A_179 = tpu.memref_slice %arg2[%dma_wait3A_177, %dma_wait3A_178] : memref<8192x512xf32, #tpu.memory_space<hbm>> -> memref<16x512xf32, #tpu.memory_space<hbm>>
      tpu.wait_dma2 semaphore(%arg21 : memref<!tpu.dma_semaphore, #tpu.memory_space<semaphore_mem>>) src(%dma_wait3A_179 : memref<16x512xf32, #tpu.memory_space<hbm>>) dst(%arg15 : memref<16x512xf32, #tpu.memory_space<vmem>>)
      %dma_wait3A_180 = arith.constant 0 : i32
      %dma_wait3A_181 = arith.constant 0 : i32
      %dma_wait3A_182 = tpu.memref_slice %arg2[%dma_wait3A_180, %dma_wait3A_181] : memref<8192x512xf32, #tpu.memory_space<hbm>> -> memref<16x512xf32, #tpu.memory_space<hbm>>
      %dma_wait3A_183 = arith.constant 0 : i32
      %dma_wait3A_184 = arith.constant 0 : i32
      %dma_wait3A_185 = tpu.memref_slice %arg2[%dma_wait3A_183, %dma_wait3A_184] : memref<8192x512xf32, #tpu.memory_space<hbm>> -> memref<16x512xf32, #tpu.memory_space<hbm>>
      tpu.wait_dma2 semaphore(%arg21 : memref<!tpu.dma_semaphore, #tpu.memory_space<semaphore_mem>>) src(%dma_wait3A_185 : memref<16x512xf32, #tpu.memory_space<hbm>>) dst(%arg16 : memref<16x512xf32, #tpu.memory_space<vmem>>)
      %dma_wait3A_186 = arith.constant 0 : i32
      %dma_wait3A_187 = arith.constant 0 : i32
      %dma_wait3A_188 = tpu.memref_slice %arg2[%dma_wait3A_186, %dma_wait3A_187] : memref<8192x512xf32, #tpu.memory_space<hbm>> -> memref<16x512xf32, #tpu.memory_space<hbm>>
      %dma_wait3A_189 = arith.constant 0 : i32
      %dma_wait3A_190 = arith.constant 0 : i32
      %dma_wait3A_191 = tpu.memref_slice %arg2[%dma_wait3A_189, %dma_wait3A_190] : memref<8192x512xf32, #tpu.memory_space<hbm>> -> memref<16x512xf32, #tpu.memory_space<hbm>>
      tpu.wait_dma2 semaphore(%arg21 : memref<!tpu.dma_semaphore, #tpu.memory_space<semaphore_mem>>) src(%dma_wait3A_191 : memref<16x512xf32, #tpu.memory_space<hbm>>) dst(%arg17 : memref<16x512xf32, #tpu.memory_space<vmem>>)
      %dma_wait3A_192 = arith.constant 0 : i32
      %dma_wait3A_193 = arith.constant 0 : i32
      %dma_wait3A_194 = tpu.memref_slice %arg2[%dma_wait3A_192, %dma_wait3A_193] : memref<8192x512xf32, #tpu.memory_space<hbm>> -> memref<16x512xf32, #tpu.memory_space<hbm>>
      %dma_wait3A_195 = arith.constant 0 : i32
      %dma_wait3A_196 = arith.constant 0 : i32
      %dma_wait3A_197 = tpu.memref_slice %arg2[%dma_wait3A_195, %dma_wait3A_196] : memref<8192x512xf32, #tpu.memory_space<hbm>> -> memref<16x512xf32, #tpu.memory_space<hbm>>
      tpu.wait_dma2 semaphore(%arg21 : memref<!tpu.dma_semaphore, #tpu.memory_space<semaphore_mem>>) src(%dma_wait3A_197 : memref<16x512xf32, #tpu.memory_space<hbm>>) dst(%arg18 : memref<16x512xf32, #tpu.memory_space<vmem>>)
      %gt3A_198 = arith.constant 0 : i32
      %gt3A_199 = arith.cmpi sgt, %scan3A_130, %gt3A_198 : i32
      %convert_element_type3A_200 = arith.extui %gt3A_199 : i1 to i32
      %cond3A_201 = arith.constant 0 : i32
      %cond3A_202 = arith.cmpi ne, %convert_element_type3A_200, %cond3A_201 : i32
      scf.if %cond3A_202 {
        %dma_wait3A_218 = arith.constant 0 : i32
        %dma_wait3A_219 = arith.constant 0 : i32
        %dma_wait3A_220 = tpu.memref_slice %arg5[%dma_wait3A_218, %dma_wait3A_219] : memref<8192x512xf32, #tpu.memory_space<hbm>> -> memref<16x512xf32, #tpu.memory_space<hbm>>
        %dma_wait3A_221 = arith.constant 0 : i32
        %dma_wait3A_222 = arith.constant 0 : i32
        %dma_wait3A_223 = tpu.memref_slice %arg5[%dma_wait3A_221, %dma_wait3A_222] : memref<8192x512xf32, #tpu.memory_space<hbm>> -> memref<16x512xf32, #tpu.memory_space<hbm>>
        tpu.wait_dma2 semaphore(%arg23 : memref<!tpu.dma_semaphore, #tpu.memory_space<semaphore_mem>>) src(%arg19 : memref<16x512xf32, #tpu.memory_space<vmem>>) dst(%dma_wait3A_223 : memref<16x512xf32, #tpu.memory_space<hbm>>)
      } else {
      }
      %parallel_loop3A_203 = arith.constant 0 : i32
      %parallel_loop3A_204 = arith.constant 512 : i32
      %parallel_loop3A_205 = arith.constant 1 : i32
      scf.for %parallel_loop3A_218 = %parallel_loop3A_203 to %parallel_loop3A_204 step %parallel_loop3A_205  : i32 {
        %parallel_loop3A_219 = arith.constant 5 : i32
        %parallel_loop3A_220 = arith.shrui %parallel_loop3A_218, %parallel_loop3A_219 : i32
        %parallel_loop3A_221 = arith.constant 31 : i32
        %parallel_loop3A_222 = arith.andi %parallel_loop3A_218, %parallel_loop3A_221 : i32
        %parallel_loop3A_223 = arith.constant 16 : i32
        %parallel_loop3A_224 = arith.muli %parallel_loop3A_222, %parallel_loop3A_223 : i32
        %parallel_loop3A_225 = arith.index_cast %parallel_loop3A_220 : i32 to index
        %parallel_loop3A_226 = arith.index_cast %parallel_loop3A_224 : i32 to index
        %parallel_loop3A_227 = tpu.vector_load %arg16[%parallel_loop3A_225, %parallel_loop3A_226] {strides = array<i32>} : memref<16x512xf32, #tpu.memory_space<vmem>>, vector<1x16xf32>,
        %parallel_loop3A_228 = vector.shape_cast %parallel_loop3A_227 : vector<1x16xf32> to vector<16xf32>
        %parallel_loop3A_229 = arith.index_cast %parallel_loop3A_220 : i32 to index
        %parallel_loop3A_230 = arith.index_cast %parallel_loop3A_224 : i32 to index
        %parallel_loop3A_231 = tpu.vector_load %arg17[%parallel_loop3A_229, %parallel_loop3A_230] {strides = array<i32>} : memref<16x512xf32, #tpu.memory_space<vmem>>, vector<1x16xf32>,
        %parallel_loop3A_232 = vector.shape_cast %parallel_loop3A_231 : vector<1x16xf32> to vector<16xf32>
        %parallel_loop3A_233 = arith.addf %parallel_loop3A_228, %parallel_loop3A_232 : vector<16xf32>
        %parallel_loop3A_234 = arith.index_cast %parallel_loop3A_220 : i32 to index
        %parallel_loop3A_235 = arith.index_cast %parallel_loop3A_224 : i32 to index
        %parallel_loop3A_236 = tpu.vector_load %arg18[%parallel_loop3A_234, %parallel_loop3A_235] {strides = array<i32>} : memref<16x512xf32, #tpu.memory_space<vmem>>, vector<1x16xf32>,
        %parallel_loop3A_237 = vector.shape_cast %parallel_loop3A_236 : vector<1x16xf32> to vector<16xf32>
        %parallel_loop3A_238 = arith.addf %parallel_loop3A_233, %parallel_loop3A_237 : vector<16xf32>
        %parallel_loop3A_239 = arith.index_cast %parallel_loop3A_220 : i32 to index
        %parallel_loop3A_240 = arith.index_cast %parallel_loop3A_224 : i32 to index
        %parallel_loop3A_241 = tpu.vector_load %arg15[%parallel_loop3A_239, %parallel_loop3A_240] {strides = array<i32>} : memref<16x512xf32, #tpu.memory_space<vmem>>, vector<1x16xf32>,
        %parallel_loop3A_242 = vector.shape_cast %parallel_loop3A_241 : vector<1x16xf32> to vector<16xf32>
        %parallel_loop3A_243 = arith.mulf %sub3A_61, %parallel_loop3A_242 : vector<16xf32>
        %parallel_loop3A_244 = arith.mulf %mul3A_64, %parallel_loop3A_238 : vector<16xf32>
        %parallel_loop3A_245 = arith.addf %parallel_loop3A_243, %parallel_loop3A_244 : vector<16xf32>
        %parallel_loop3A_246 = arith.index_cast %parallel_loop3A_220 : i32 to index
        %parallel_loop3A_247 = arith.index_cast %parallel_loop3A_224 : i32 to index
        %parallel_loop3A_248 = tpu.vector_load %arg19[%parallel_loop3A_246, %parallel_loop3A_247] {strides = array<i32>} : memref<16x512xf32, #tpu.memory_space<vmem>>, vector<1x16xf32>,
        %parallel_loop3A_249 = vector.shape_cast %parallel_loop3A_248 : vector<1x16xf32> to vector<16xf32>
        %parallel_loop3A_250 = vector.shape_cast %parallel_loop3A_245 : vector<16xf32> to vector<1x16xf32>
        tpu.vector_store %arg19[%parallel_loop3A_246, %parallel_loop3A_247], %parallel_loop3A_250 {strides = array<i32>} : memref<16x512xf32, #tpu.memory_space<vmem>>, vector<1x16xf32>,
      } {sc.loop_unroll_factor = 16 : i64, sc.parallel_access}
      %mul3A_206 = arith.constant 16 : i32
      %mul3A_207 = arith.muli %add3A_134, %mul3A_206 : i32
      %add3A_208 = arith.addi %mul3A_2, %mul3A_207 : i32
      %dma_start3A_209 = arith.constant 0 : i32
      %dma_start3A_210 = tpu.memref_slice %arg5[%add3A_208, %dma_start3A_209] : memref<8192x512xf32, #tpu.memory_space<hbm>> -> memref<16x512xf32, #tpu.memory_space<hbm>>
      %dma_start3A_211 = arith.constant 0 : i32
      %dma_start3A_212 = tpu.memref_slice %arg5[%add3A_208, %dma_start3A_211] : memref<8192x512xf32, #tpu.memory_space<hbm>> -> memref<16x512xf32, #tpu.memory_space<hbm>>
      tpu.enqueue_dma source(%arg19 : memref<16x512xf32, #tpu.memory_space<vmem>>) target(%dma_start3A_212 : memref<16x512xf32, #tpu.memory_space<hbm>>) target_semaphore(%arg23 : memref<!tpu.dma_semaphore, #tpu.memory_space<semaphore_mem>>)
      %lt3A_213 = arith.constant 7 : i32
      %lt3A_214 = arith.cmpi slt, %scan3A_130, %lt3A_213 : i32
      %convert_element_type3A_215 = arith.extui %lt3A_214 : i1 to i32
      %cond3A_216 = arith.constant 0 : i32
      %cond3A_217 = arith.cmpi ne, %convert_element_type3A_215, %cond3A_216 : i32
      scf.if %cond3A_217 {
        %add3A_218 = arith.constant 2 : i32
        %add3A_219 = arith.addi %add3A_134, %add3A_218 : i32
        %mul3A_220 = arith.constant 16 : i32
        %mul3A_221 = arith.muli %add3A_219, %mul3A_220 : i32
        %add3A_222 = arith.addi %mul3A_2, %mul3A_221 : i32
        %dma_start3A_223 = arith.constant 0 : i32
        %dma_start3A_224 = tpu.memref_slice %arg2[%add3A_222, %dma_start3A_223] : memref<8192x512xf32, #tpu.memory_space<hbm>> -> memref<16x512xf32, #tpu.memory_space<hbm>>
        %dma_start3A_225 = arith.constant 0 : i32
        %dma_start3A_226 = tpu.memref_slice %arg2[%add3A_222, %dma_start3A_225] : memref<8192x512xf32, #tpu.memory_space<hbm>> -> memref<16x512xf32, #tpu.memory_space<hbm>>
        tpu.enqueue_dma source(%dma_start3A_226 : memref<16x512xf32, #tpu.memory_space<hbm>>) target(%arg15 : memref<16x512xf32, #tpu.memory_space<vmem>>) target_semaphore(%arg21 : memref<!tpu.dma_semaphore, #tpu.memory_space<semaphore_mem>>)
        %mul3A_227 = arith.constant 16 : i32
        %mul3A_228 = arith.muli %add3A_219, %mul3A_227 : i32
        %get3A_229 = arith.index_cast %mul3A_228 : i32 to index
        %get3A_230 = tpu.vector_load %arg6[%get3A_229] {strides = array<i32>} : memref<256xi32, #tpu.memory_space<vmem>>, vector<16xi32>,
        %get3A_231 = vector.shape_cast %get3A_230 : vector<16xi32> to vector<16xi32>
        %dma_start3A_232 = arith.constant 0 : i32
        %dma_start3A_233 = arith.constant 0 : i32
        %dma_start3A_234 = tpu.memref_slice %arg2[%dma_start3A_232, %dma_start3A_233] : memref<8192x512xf32, #tpu.memory_space<hbm>> -> memref<8192x512xf32, #tpu.memory_space<hbm>>
        tpu.enqueue_indirect_dma source(%dma_start3A_234 : memref<8192x512xf32, #tpu.memory_space<hbm>>) target(%arg16 : memref<16x512xf32, #tpu.memory_space<vmem>>) offsets(%get3A_231 : vector<16xi32>) semaphore(%arg21 : memref<!tpu.dma_semaphore, #tpu.memory_space<semaphore_mem>>)
        %mul3A_235 = arith.constant 16 : i32
        %mul3A_236 = arith.muli %add3A_219, %mul3A_235 : i32
        %get3A_237 = arith.index_cast %mul3A_236 : i32 to index
        %get3A_238 = tpu.vector_load %arg7[%get3A_237] {strides = array<i32>} : memref<256xi32, #tpu.memory_space<vmem>>, vector<16xi32>,
        %get3A_239 = vector.shape_cast %get3A_238 : vector<16xi32> to vector<16xi32>
        %dma_start3A_240 = arith.constant 0 : i32
        %dma_start3A_241 = arith.constant 0 : i32
        %dma_start3A_242 = tpu.memref_slice %arg2[%dma_start3A_240, %dma_start3A_241] : memref<8192x512xf32, #tpu.memory_space<hbm>> -> memref<8192x512xf32, #tpu.memory_space<hbm>>
        tpu.enqueue_indirect_dma source(%dma_start3A_242 : memref<8192x512xf32, #tpu.memory_space<hbm>>) target(%arg17 : memref<16x512xf32, #tpu.memory_space<vmem>>) offsets(%get3A_239 : vector<16xi32>) semaphore(%arg21 : memref<!tpu.dma_semaphore, #tpu.memory_space<semaphore_mem>>)
        %mul3A_243 = arith.constant 16 : i32
        %mul3A_244 = arith.muli %add3A_219, %mul3A_243 : i32
        %get3A_245 = arith.index_cast %mul3A_244 : i32 to index
        %get3A_246 = tpu.vector_load %arg8[%get3A_245] {strides = array<i32>} : memref<256xi32, #tpu.memory_space<vmem>>, vector<16xi32>,
        %get3A_247 = vector.shape_cast %get3A_246 : vector<16xi32> to vector<16xi32>
        %dma_start3A_248 = arith.constant 0 : i32
        %dma_start3A_249 = arith.constant 0 : i32
        %dma_start3A_250 = tpu.memref_slice %arg2[%dma_start3A_248, %dma_start3A_249] : memref<8192x512xf32, #tpu.memory_space<hbm>> -> memref<8192x512xf32, #tpu.memory_space<hbm>>
        tpu.enqueue_indirect_dma source(%dma_start3A_250 : memref<8192x512xf32, #tpu.memory_space<hbm>>) target(%arg18 : memref<16x512xf32, #tpu.memory_space<vmem>>) offsets(%get3A_247 : vector<16xi32>) semaphore(%arg21 : memref<!tpu.dma_semaphore, #tpu.memory_space<semaphore_mem>>)
      } else {
      }
    }
    %scan3A_117 = arith.constant 8 : i32
    %dma_wait3A_118 = arith.constant 0 : i32
    %dma_wait3A_119 = arith.constant 0 : i32
    %dma_wait3A_120 = tpu.memref_slice %arg5[%dma_wait3A_118, %dma_wait3A_119] : memref<8192x512xf32, #tpu.memory_space<hbm>> -> memref<16x512xf32, #tpu.memory_space<hbm>>
    %dma_wait3A_121 = arith.constant 0 : i32
    %dma_wait3A_122 = arith.constant 0 : i32
    %dma_wait3A_123 = tpu.memref_slice %arg5[%dma_wait3A_121, %dma_wait3A_122] : memref<8192x512xf32, #tpu.memory_space<hbm>> -> memref<16x512xf32, #tpu.memory_space<hbm>>
    tpu.wait_dma2 semaphore(%arg22 : memref<!tpu.dma_semaphore, #tpu.memory_space<semaphore_mem>>) src(%arg14 : memref<16x512xf32, #tpu.memory_space<vmem>>) dst(%dma_wait3A_123 : memref<16x512xf32, #tpu.memory_space<hbm>>)
    %dma_wait3A_124 = arith.constant 0 : i32
    %dma_wait3A_125 = arith.constant 0 : i32
    %dma_wait3A_126 = tpu.memref_slice %arg5[%dma_wait3A_124, %dma_wait3A_125] : memref<8192x512xf32, #tpu.memory_space<hbm>> -> memref<16x512xf32, #tpu.memory_space<hbm>>
    %dma_wait3A_127 = arith.constant 0 : i32
    %dma_wait3A_128 = arith.constant 0 : i32
    %dma_wait3A_129 = tpu.memref_slice %arg5[%dma_wait3A_127, %dma_wait3A_128] : memref<8192x512xf32, #tpu.memory_space<hbm>> -> memref<16x512xf32, #tpu.memory_space<hbm>>
    tpu.wait_dma2 semaphore(%arg23 : memref<!tpu.dma_semaphore, #tpu.memory_space<semaphore_mem>>) src(%arg19 : memref<16x512xf32, #tpu.memory_space<vmem>>) dst(%dma_wait3A_129 : memref<16x512xf32, #tpu.memory_space<hbm>>)
    return
  }
}

module attributes {stable_mosaic.version = 14 : i64} {
  func.func @_topk_body(%arg0: i32, %arg1: i32, %arg2: memref<1x1024x512xf32, #tpu.memory_space<vmem>>, %arg3: memref<1x2048x512xf32, #tpu.memory_space<vmem>>, %arg4: memref<1x3x1024x1xi32, #tpu.memory_space<vmem>>) attributes {dimension_semantics = [#tpu.dimension_semantics<arbitrary>, #tpu.dimension_semantics<arbitrary>], iteration_bounds = array<i64: 4, 2>, scalar_prefetch = 0 : i64, scratch_operands = 0 : i64, tpu.core_type = #tpu.core_type<tc>, window_params = [{transform_indices = @transform_0, window_bounds = array<i64: 1, 1024, 512>}, {transform_indices = @transform_1, window_bounds = array<i64: 1, 2048, 512>}, {transform_indices = @transform_2, window_bounds = array<i64: 1, 3, 1024, 1>}]} {
    %get3A = arith.constant 0 : index
    %get3A_0 = arith.constant 0 : index
    %get3A_1 = arith.constant 0 : index
    %get3A_2 = vector.load %arg2[%get3A, %get3A_0, %get3A_1] : memref<1x1024x512xf32, #tpu.memory_space<vmem>>, vector<1x1024x512xf32>
    %get3A_3 = vector.shape_cast %get3A_2 : vector<1x1024x512xf32> to vector<1024x512xf32>
    %get3A_4 = arith.constant 0 : index
    %get3A_5 = arith.constant 0 : index
    %get3A_6 = arith.constant 0 : index
    %get3A_7 = vector.load %arg3[%get3A_4, %get3A_5, %get3A_6] : memref<1x2048x512xf32, #tpu.memory_space<vmem>>, vector<1x2048x512xf32>
    %get3A_8 = vector.shape_cast %get3A_7 : vector<1x2048x512xf32> to vector<2048x512xf32>
    %mul3A = arith.mulf %get3A_3, %get3A_3 : vector<1024x512xf32>
    %reduce_sum3A = arith.constant dense<0.000000e+00> : vector<1024xf32>
    %reduce_sum3A_9 = vector.multi_reduction <add>, %mul3A, %reduce_sum3A [1] : vector<1024x512xf32> to vector<1024xf32>
    %mul3A_10 = arith.mulf %get3A_8, %get3A_8 : vector<2048x512xf32>
    %reduce_sum3A_11 = arith.constant dense<0.000000e+00> : vector<2048xf32>
    %reduce_sum3A_12 = vector.multi_reduction <add>, %mul3A_10, %reduce_sum3A_11 [1] : vector<2048x512xf32> to vector<2048xf32>
    %mul3A_13 = arith.constant -2.000000e+00 : f32
    %mul3A_14 = vector.broadcast %mul3A_13 : f32 to vector<1024x512xf32>
    %mul3A_15 = arith.mulf %get3A_3, %mul3A_14 : vector<1024x512xf32>
    %dot_general3A = arith.constant dense<0.000000e+00> : vector<1024x2048xf32>
    %dot_general3A_16 = tpu.matmul %mul3A_15, %get3A_8, %dot_general3A {dimension_numbers = #tpu.dot_dimension_numbers<[1], [1], [0], [0], [0, 0, 1, 0], [], []>, transpose_lhs_hint = false} : vector<1024x512xf32>, vector<2048x512xf32>, vector<1024x2048xf32> -> vector<1024x2048xf32>
    %iota3A = tpu.iota {dimensions = array<i32: 1>} : vector<1024x2048xi32>
    %mul3A_17 = arith.constant 1024 : i32
    %mul3A_18 = arith.muli %arg1, %mul3A_17 : i32
    %iota3A_19 = tpu.iota {dimensions = array<i32: 0>} : vector<1024x2048xi32>
    %add3A = vector.broadcast %mul3A_18 : i32 to vector<1024x2048xi32>
    %add3A_20 = arith.addi %add3A, %iota3A_19 : vector<1024x2048xi32>
    %convert_element_type3A = arith.sitofp %iota3A : vector<1024x2048xi32> to vector<1024x2048xf32>
    %eq3A = arith.cmpi eq, %iota3A, %add3A_20 : vector<1024x2048xi32>
    %broadcast_in_dim3A = vector.shape_cast %reduce_sum3A_9 : vector<1024xf32> to vector<1024x1xf32>
    %broadcast_in_dim3A_21 = vector.shape_cast %reduce_sum3A_12 : vector<2048xf32> to vector<1x2048xf32>
    %add3A_22 = vector.broadcast %broadcast_in_dim3A : vector<1024x1xf32> to vector<1024x2048xf32>
    %add3A_23 = vector.broadcast %broadcast_in_dim3A_21 : vector<1x2048xf32> to vector<1024x2048xf32>
    %add3A_24 = arith.addf %add3A_22, %add3A_23 : vector<1024x2048xf32>
    %add3A_25 = arith.addf %add3A_24, %dot_general3A_16 : vector<1024x2048xf32>
    %max3A = arith.constant 0.000000e+00 : f32
    %max3A_26 = vector.broadcast %max3A : f32 to vector<1024x2048xf32>
    %max3A_27 = arith.maximumf %add3A_25, %max3A_26 : vector<1024x2048xf32>
    %sqrt3A = math.sqrt %max3A_27 : vector<1024x2048xf32>
    %jit3A = arith.constant 3.000000e+38 : f32
    %broadcast_in_dim3A_28 = vector.broadcast %jit3A : f32 to vector<1024x2048xf32>
    %select_n3A = arith.select %eq3A, %broadcast_in_dim3A_28, %sqrt3A : vector<1024x2048xi1>, vector<1024x2048xf32>
    %mul3A_29 = arith.constant 2048 : i32
    %mul3A_30 = arith.muli %arg0, %mul3A_29 : i32
    %reduce_min3A = arith.constant dense<0x7F800000> : vector<1024xf32>
    %reduce_min3A_31 = vector.multi_reduction <minimumf>, %select_n3A, %reduce_min3A [1] : vector<1024x2048xf32> to vector<1024xf32>
    %broadcast_in_dim3A_32 = vector.shape_cast %reduce_min3A_31 : vector<1024xf32> to vector<1024x1xf32>
    %eq3A_33 = vector.broadcast %broadcast_in_dim3A_32 : vector<1024x1xf32> to vector<1024x2048xf32>
    %eq3A_34 = arith.cmpf oeq, %select_n3A, %eq3A_33 : vector<1024x2048xf32>
    %jit3A_35 = arith.constant 2.048000e+03 : f32
    %broadcast_in_dim3A_36 = vector.broadcast %jit3A_35 : f32 to vector<1024x2048xf32>
    %select_n3A_37 = arith.select %eq3A_34, %convert_element_type3A, %broadcast_in_dim3A_36 : vector<1024x2048xi1>, vector<1024x2048xf32>
    %reduce_min3A_38 = arith.constant dense<0x7F800000> : vector<1024xf32>
    %reduce_min3A_39 = vector.multi_reduction <minimumf>, %select_n3A_37, %reduce_min3A_38 [1] : vector<1024x2048xf32> to vector<1024xf32>
    %convert_element_type3A_40 = arith.fptosi %reduce_min3A_39 : vector<1024xf32> to vector<1024xi32>
    %add3A_41 = vector.broadcast %mul3A_30 : i32 to vector<1024xi32>
    %add3A_42 = arith.addi %convert_element_type3A_40, %add3A_41 : vector<1024xi32>
    %broadcast_in_dim3A_43 = vector.shape_cast %add3A_42 : vector<1024xi32> to vector<1024x1xi32>
    %swap3A = arith.constant 0 : index
    %swap3A_44 = arith.constant 0 : index
    %swap3A_45 = arith.constant 0 : index
    %swap3A_46 = arith.constant 0 : index
    %swap3A_47 = vector.load %arg4[%swap3A, %swap3A_44, %swap3A_45, %swap3A_46] : memref<1x3x1024x1xi32, #tpu.memory_space<vmem>>, vector<1x1x1024x1xi32>
    %swap3A_48 = vector.shape_cast %swap3A_47 : vector<1x1x1024x1xi32> to vector<1024x1xi32>
    %swap3A_49 = vector.shape_cast %broadcast_in_dim3A_43 : vector<1024x1xi32> to vector<1x1x1024x1xi32>
    tpu.vector_store %arg4[%swap3A, %swap3A_44, %swap3A_45, %swap3A_46], %swap3A_49 {strides = array<i32>} : memref<1x3x1024x1xi32, #tpu.memory_space<vmem>>, vector<1x1x1024x1xi32>,
    %broadcast_in_dim3A_50 = vector.shape_cast %reduce_min3A_39 : vector<1024xf32> to vector<1024x1xf32>
    %eq3A_51 = vector.broadcast %broadcast_in_dim3A_50 : vector<1024x1xf32> to vector<1024x2048xf32>
    %eq3A_52 = arith.cmpf oeq, %convert_element_type3A, %eq3A_51 : vector<1024x2048xf32>
    %jit3A_53 = arith.constant 3.000000e+38 : f32
    %broadcast_in_dim3A_54 = vector.broadcast %jit3A_53 : f32 to vector<1024x2048xf32>
    %select_n3A_55 = arith.select %eq3A_52, %broadcast_in_dim3A_54, %select_n3A : vector<1024x2048xi1>, vector<1024x2048xf32>
    %reduce_min3A_56 = arith.constant dense<0x7F800000> : vector<1024xf32>
    %reduce_min3A_57 = vector.multi_reduction <minimumf>, %select_n3A_55, %reduce_min3A_56 [1] : vector<1024x2048xf32> to vector<1024xf32>
    %broadcast_in_dim3A_58 = vector.shape_cast %reduce_min3A_57 : vector<1024xf32> to vector<1024x1xf32>
    %eq3A_59 = vector.broadcast %broadcast_in_dim3A_58 : vector<1024x1xf32> to vector<1024x2048xf32>
    %eq3A_60 = arith.cmpf oeq, %select_n3A_55, %eq3A_59 : vector<1024x2048xf32>
    %jit3A_61 = arith.constant 2.048000e+03 : f32
    %broadcast_in_dim3A_62 = vector.broadcast %jit3A_61 : f32 to vector<1024x2048xf32>
    %select_n3A_63 = arith.select %eq3A_60, %convert_element_type3A, %broadcast_in_dim3A_62 : vector<1024x2048xi1>, vector<1024x2048xf32>
    %reduce_min3A_64 = arith.constant dense<0x7F800000> : vector<1024xf32>
    %reduce_min3A_65 = vector.multi_reduction <minimumf>, %select_n3A_63, %reduce_min3A_64 [1] : vector<1024x2048xf32> to vector<1024xf32>
    %convert_element_type3A_66 = arith.fptosi %reduce_min3A_65 : vector<1024xf32> to vector<1024xi32>
    %add3A_67 = vector.broadcast %mul3A_30 : i32 to vector<1024xi32>
    %add3A_68 = arith.addi %convert_element_type3A_66, %add3A_67 : vector<1024xi32>
    %broadcast_in_dim3A_69 = vector.shape_cast %add3A_68 : vector<1024xi32> to vector<1024x1xi32>
    %swap3A_70 = arith.constant 0 : index
    %swap3A_71 = arith.constant 1 : index
    %swap3A_72 = arith.constant 0 : index
    %swap3A_73 = arith.constant 0 : index
    %swap3A_74 = vector.load %arg4[%swap3A_70, %swap3A_71, %swap3A_72, %swap3A_73] : memref<1x3x1024x1xi32, #tpu.memory_space<vmem>>, vector<1x1x1024x1xi32>
    %swap3A_75 = vector.shape_cast %swap3A_74 : vector<1x1x1024x1xi32> to vector<1024x1xi32>
    %swap3A_76 = vector.shape_cast %broadcast_in_dim3A_69 : vector<1024x1xi32> to vector<1x1x1024x1xi32>
    tpu.vector_store %arg4[%swap3A_70, %swap3A_71, %swap3A_72, %swap3A_73], %swap3A_76 {strides = array<i32>} : memref<1x3x1024x1xi32, #tpu.memory_space<vmem>>, vector<1x1x1024x1xi32>,
    %broadcast_in_dim3A_77 = vector.shape_cast %reduce_min3A_65 : vector<1024xf32> to vector<1024x1xf32>
    %eq3A_78 = vector.broadcast %broadcast_in_dim3A_77 : vector<1024x1xf32> to vector<1024x2048xf32>
    %eq3A_79 = arith.cmpf oeq, %convert_element_type3A, %eq3A_78 : vector<1024x2048xf32>
    %jit3A_80 = arith.constant 3.000000e+38 : f32
    %broadcast_in_dim3A_81 = vector.broadcast %jit3A_80 : f32 to vector<1024x2048xf32>
    %select_n3A_82 = arith.select %eq3A_79, %broadcast_in_dim3A_81, %select_n3A_55 : vector<1024x2048xi1>, vector<1024x2048xf32>
    %reduce_min3A_83 = arith.constant dense<0x7F800000> : vector<1024xf32>
    %reduce_min3A_84 = vector.multi_reduction <minimumf>, %select_n3A_82, %reduce_min3A_83 [1] : vector<1024x2048xf32> to vector<1024xf32>
    %broadcast_in_dim3A_85 = vector.shape_cast %reduce_min3A_84 : vector<1024xf32> to vector<1024x1xf32>
    %eq3A_86 = vector.broadcast %broadcast_in_dim3A_85 : vector<1024x1xf32> to vector<1024x2048xf32>
    %eq3A_87 = arith.cmpf oeq, %select_n3A_82, %eq3A_86 : vector<1024x2048xf32>
    %jit3A_88 = arith.constant 2.048000e+03 : f32
    %broadcast_in_dim3A_89 = vector.broadcast %jit3A_88 : f32 to vector<1024x2048xf32>
    %select_n3A_90 = arith.select %eq3A_87, %convert_element_type3A, %broadcast_in_dim3A_89 : vector<1024x2048xi1>, vector<1024x2048xf32>
    %reduce_min3A_91 = arith.constant dense<0x7F800000> : vector<1024xf32>
    %reduce_min3A_92 = vector.multi_reduction <minimumf>, %select_n3A_90, %reduce_min3A_91 [1] : vector<1024x2048xf32> to vector<1024xf32>
    %convert_element_type3A_93 = arith.fptosi %reduce_min3A_92 : vector<1024xf32> to vector<1024xi32>
    %add3A_94 = vector.broadcast %mul3A_30 : i32 to vector<1024xi32>
    %add3A_95 = arith.addi %convert_element_type3A_93, %add3A_94 : vector<1024xi32>
    %broadcast_in_dim3A_96 = vector.shape_cast %add3A_95 : vector<1024xi32> to vector<1024x1xi32>
    %swap3A_97 = arith.constant 0 : index
    %swap3A_98 = arith.constant 2 : index
    %swap3A_99 = arith.constant 0 : index
    %swap3A_100 = arith.constant 0 : index
    %swap3A_101 = vector.load %arg4[%swap3A_97, %swap3A_98, %swap3A_99, %swap3A_100] : memref<1x3x1024x1xi32, #tpu.memory_space<vmem>>, vector<1x1x1024x1xi32>
    %swap3A_102 = vector.shape_cast %swap3A_101 : vector<1x1x1024x1xi32> to vector<1024x1xi32>
    %swap3A_103 = vector.shape_cast %broadcast_in_dim3A_96 : vector<1024x1xi32> to vector<1x1x1024x1xi32>
    tpu.vector_store %arg4[%swap3A_97, %swap3A_98, %swap3A_99, %swap3A_100], %swap3A_103 {strides = array<i32>} : memref<1x3x1024x1xi32, #tpu.memory_space<vmem>>, vector<1x1x1024x1xi32>,
    return
  }
  func.func @transform_0(%arg0: i32, %arg1: i32) -> (i32, i32, i32) {
    %c0_i32 = arith.constant 0 : i32
    %c0_i32_0 = arith.constant 0 : i32
    return %arg0, %arg1, %c0_i32 : i32, i32, i32
  }
  func.func @transform_1(%arg0: i32, %arg1: i32) -> (i32, i32, i32) {
    %c0_i32 = arith.constant 0 : i32
    %c0_i32_0 = arith.constant 0 : i32
    %c0_i32_1 = arith.constant 0 : i32
    return %arg0, %c0_i32, %c0_i32_0 : i32, i32, i32
  }
  func.func @transform_2(%arg0: i32, %arg1: i32) -> (i32, i32, i32, i32) {
    %c0_i32 = arith.constant 0 : i32
    %c0_i32_0 = arith.constant 0 : i32
    %c0_i32_1 = arith.constant 0 : i32
    return %arg0, %c0_i32, %arg1, %c0_i32_0 : i32, i32, i32, i32
  }
}

</mosaic_0001>

<sc_bundles>
// kernel: kernel.4.cloned.1.call-start
scs
__scs_entry_jumppad:
0x0: {  	(pc) =	sbr.rel $0x88, $3  }
0x1: {  	(tag) =	ssettag $0x0;
	lr =	simm.s32 $0x1  }
0x2: {  	[smem:$0x3F9F] =	sst lr;
	_ =	strace $0xD0000000  }
0x3: {  	_ = 	snop  }
0x4: {  	_ = 	snop  }
0x5: {  	_ = 	snop  }
0x6: {  	_ = 	snop  }
0x7: {  	_ = 	snop  }
__scs_overlays_trampoline_lowered:
0x8: {  	[smem:$0x3FAE] =	sst s0  }
0x9: {  	[smem:$0x3FAF] =	sst s1  }
0xa: {  	[smem:$0x3FB0] =	sst s2  }
0xb: {  	[smem:$0x3FB1] =	sst s3  }
0xc: {  	[smem:$0x3FB2] =	sst s4  }
0xd: {  	[smem:$0x3FB3] =	sst s5  }
0xe: {  	[smem:$0x3FB4] =	sst s6  }
0xf: {  	[smem:$0x3FB5] =	sst s7  }
0x10: {  	[smem:$0x3FB6] =	sst s8  }
0x11: {  	[smem:$0x3FB7] =	sst s9;
	s0 =	simm.s32 @!p0 $0x0  }
0x12: {  	s1 =	sld [smem:$0x3F9D];
	s0 =	simm.s32 @p0 $0x1  }
0x13: {  	[smem:$0x3FB8] =	sst s0;
	s0 =	simm.s32 @!p1 $0x0  }
0x14: {  	s2 =	sld [smem:$0x3F9C];
	s0 =	simm.s32 @p1 $0x1  }
0x15: {  	[smem:$0x3FB9] =	sst s0;
	s0 =	simm.s32 @!p2 $0x0  }
0x16: {  	s3 =	sld [smem:$0x3FDB];
	s0 =	simm.s32 @p2 $0x1  }
0x17: {  	s4 =	simm.s32 $0x1BF5;
	[smem:$0x3FBB] =	sst s0  }
0x18: {  	s0 =	sld [smem:$0x3F9E];
	_ =	swait.ge [sflag:s4], $0x0  }
0x19: {  	s7 =	sld [smem:$0x3F9F]  }
0x1a: {  	s8 =	sadd.s32 $0xFFFFE003, lr  }
0x1b: {  	s9 =	sadd.s32 $0xFFFFFEF7, lr;
	s5 =	simm.s32 $0xFFFFFFFF;
	p2 =	slt.u32 s8, $0xFFFFF086  }
0x1c: {  	p1 =	slt.u32 s9, $0xF7A;
	s5 =	simm.s32 @!p2 $0x0  }
0x1d: {  	s5 =	simm.s32 @p1 $0x1;
	p0 =	seq.s32 s7, s2  }
0x1e: {  	s7 =	smul.u32 @!p0 $0xF7A, s2;
	p2 =	seq.s32 @!p0 s5, $0x0  }
0x1f: {  	s9 =	smul.u32 $0xF7A, s1;
	s8 =	simm.s32 @!p0 $0x1BF5;
	p2 =	por !p2, p0  }
0x20: {  	[sflag:s8] =	ssyncset.s32 @!p0 $0xFFFFF086;
	s6 =	sadd.s32 @!p0 s3, s7;
	s7 =	simm.s32 @!p0 $0x108  }
0x21: {  	s3 =	sadd.s32 s3, s9;
	s6 =	sadd.s32 @!p0 $0x88, s6;
	s7 =	simm.s32 @p2 $0x1082  }
0x22: {  	[simem:s7], [sflag:s8] =	dma.local @!p0 [hbm:s6], $0xF7A  }
0x23: {  	s9 =	sor.u32 $0xD0000000, s2;
	s6 =	simm.s32 $0x108;
	_ =	swait.ge @!p0 [sflag:s8], $0x0  }
0x24: {  	s3 =	sadd.s32 $0x88, s3;
	s6 =	simm.s32 @!p1 $0x1082;
	[sflag:s4] =	ssyncset.s32 $0xFFFFF086  }
0x25: {  	[simem:s6], [sflag:s4] =	dma.local [hbm:s3], $0xF7A  }
0x26: {  	[smem:$0x3F9F] =	sst s1;
	(tag) =	ssettag s2;
	_ =	strace s9  }
0x27: {  	s1 =	sld [smem:$0x3FAF]  }
0x28: {  	s2 =	sld [smem:$0x3FB0]  }
0x29: {  	s4 =	sld [smem:$0x3FB2]  }
0x2a: {  	p0 =	seq.s32 s5, $0x0;
	s5 =	sld [smem:$0x3FB3]  }
0x2b: {  	s6 =	sld [smem:$0x3FB4]  }
0x2c: {  	s7 =	sld [smem:$0x3FB5]  }
0x2d: {  	s3 =	simm.s32 $0x108;
	s8 =	sld [smem:$0x3FB6]  }
0x2e: {  	s3 =	simm.s32 @!p0 $0x1082;
	s9 =	sld [smem:$0x3FB7]  }
0x2f: {  	lr =	sadd.s32 s0, s3;
	s0 =	sld [smem:$0x3FAE]  }
0x30: {  	s3 =	sld [smem:$0x3FB1]  }
0x31: {  	[smem:$0x3FBA] =	sst s10  }
0x32: {  	s10 =	sld [smem:$0x3FB8];
	_ =	sdelay $0x3  }
0x33: {  	p0 =	seq.s32 s10, $0x1;
	s10 =	sld [smem:$0x3FBA];
	_ =	sdelay $0x3  }
0x34: {  	[smem:$0x3FBA] =	sst s10  }
0x35: {  	s10 =	sld [smem:$0x3FB9];
	_ =	sdelay $0x3  }
0x36: {  	p1 =	seq.s32 s10, $0x1;
	s10 =	sld [smem:$0x3FBA];
	_ =	sdelay $0x3  }
0x37: {  	[smem:$0x3FBA] =	sst s10  }
0x38: {  	s10 =	sld [smem:$0x3FBB]  }
0x39: {  	_ = 	snop;
	(pc) =	sbr.ind lr, $3  }
0x3a: {  	_ = 	snop  }
0x3b: {  	_ = 	snop  }
0x3c: {  	p2 =	seq.s32 s10, $0x1;
	s10 =	sld [smem:$0x3FBA]  }
0x3d: {  	_ =	shalt  }
0x3e: {  	_ =	shalt  }
0x3f: {  	_ =	shalt  }
0x40: {  	_ =	shalt  }
0x41: {  	_ =	shalt  }
0x42: {  	_ =	shalt  }
0x43: {  	_ =	shalt  }
0x44: {  	_ =	shalt  }
0x45: {  	_ =	shalt  }
0x46: {  	_ =	shalt  }
0x47: {  	_ =	shalt  }
0x48: {  	_ =	shalt  }
0x49: {  	_ =	shalt  }
0x4a: {  	_ =	shalt  }
0x4b: {  	_ =	shalt  }
0x4c: {  	_ =	shalt  }
0x4d: {  	_ =	shalt  }
0x4e: {  	_ =	shalt  }
0x4f: {  	_ =	shalt  }
0x50: {  	_ =	shalt  }
0x51: {  	_ =	shalt  }
0x52: {  	_ =	shalt  }
0x53: {  	_ =	shalt  }
0x54: {  	_ =	shalt  }
0x55: {  	_ =	shalt  }
0x56: {  	_ =	shalt  }
0x57: {  	_ =	shalt  }
0x58: {  	_ =	shalt  }
0x59: {  	_ =	shalt  }
0x5a: {  	_ =	shalt  }
0x5b: {  	_ =	shalt  }
0x5c: {  	_ =	shalt  }
0x5d: {  	_ =	shalt  }
0x5e: {  	_ =	shalt  }
0x5f: {  	_ =	shalt  }
0x60: {  	_ =	shalt  }
0x61: {  	_ =	shalt  }
0x62: {  	_ =	shalt  }
0x63: {  	_ =	shalt  }
0x64: {  	_ =	shalt  }
0x65: {  	_ =	shalt  }
0x66: {  	_ =	shalt  }
0x67: {  	_ =	shalt  }
0x68: {  	_ =	shalt  }
0x69: {  	_ =	shalt  }
0x6a: {  	_ =	shalt  }
0x6b: {  	_ =	shalt  }
0x6c: {  	_ =	shalt  }
0x6d: {  	_ =	shalt  }
0x6e: {  	_ =	shalt  }
0x6f: {  	_ =	shalt  }
0x70: {  	_ =	shalt  }
0x71: {  	_ =	shalt  }
0x72: {  	_ =	shalt  }
0x73: {  	_ =	shalt  }
0x74: {  	_ =	shalt  }
0x75: {  	_ =	shalt  }
0x76: {  	_ =	shalt  }
0x77: {  	_ =	shalt  }
0x78: {  	_ =	shalt  }
0x79: {  	_ =	shalt  }
0x7a: {  	_ =	shalt  }
0x7b: {  	_ =	shalt  }
0x7c: {  	_ =	shalt  }
0x7d: {  	_ =	shalt  }
0x7e: {  	_ =	shalt  }
0x7f: {  	_ =	shalt  }
0x80: {  	_ =	shalt  }
0x81: {  	_ =	shalt  }
0x82: {  	_ =	shalt  }
0x83: {  	_ =	shalt  }
0x84: {  	_ =	shalt  }
0x85: {  	_ =	shalt  }
0x86: {  	_ =	shalt  }
0x87: {  	_ =	shalt  }
.Lfunc_end0:
.L_simem_size_0:
called_computation_lowered:
.L_overlay_start_0:
0x88: {  	s2 =	sld [smem:$0x3FD9]  }
0x89: {  	s3 =	sld [smem:$0x3FFE];
	_ =	sdelay $0x1  }
0x8a: {  	s1 =	srdreg.scid  }
0x8b: {  	s0 =	sand.u32 $0x1, s1  }
0x8c: {  	s17 =	sshll.u32 s0, $0xA;
	s2 =	sadd.s32 s3, s2  }
0x8d: {  	s2 =	sadd.s32 s2, s17  }
0x8e: {  	[smem:$0x3FC6] =	sst s2  }
0x8f: {  	_ = 	snop  }
0x90: {  	s2 =	sld [smem:$0x3FC9]  }
0x91: {  	s18 =	sld [smem:$0x3FD0];
	(tm) =	ssettm $0x1  }
0x92: {  	s4 =	sld [smem:$0x3FFB];
	_ =	sdelay $0x3  }
0x93: {  	_ =	strace s4  }
0x94: {  	s4 =	sld [smem:$0x3FFC];
	_ =	sdelay $0x3  }
0x95: {  	_ =	strace s4  }
0x96: {  	s4 =	sld [smem:$0x3FFD];
	_ =	sdelay $0x3  }
0x97: {  	_ =	strace s4  }
0x98: {  	_ =	strace $0x8FFFFFFF  }
0x99: {  	s19 =	sld [smem:$0x3FDB];
	_ =	sdelay $0x1  }
0x9a: {  	s5 =	simm.s32 $_scs_section_size  }
0x9b: {  	s6 =	simm.s32 $_size__tile_overlayer_lowered;
	s7 =	simm.s32 $_tile_overlayer_lowered  }
0x9c: {  	s22 =	simm.s32 $0x1BFF;
	s21 =	sshll.u32 s7, $0x1;
	s4 =	sadd.s32 s5, s19  }
0x9d: {  	s8 =	simm.s32 $0x0;
	s20 =	sshll.u32 s6, $0x1;
	s6 =	sadd.s32 s21, s4  }
0x9e: {  	[timem:s8], [sflag:s22] =	dma.local [hbm:s6], s20  }
0x9f: {  	_ =	swait.ge [sflag:s22], s20  }
0xa0: {  	s5 =	ssub.s32 $0x0, s20;
	[sflag:s22] =	ssyncset.done $0x0  }
0xa1: {  	[sflag:s22] =	ssyncadd.s32 s5;
	_ =	sdelay $0x1  }
0xa2: {  	s23 =	simm.s32 $0x1B8B  }
0xa3: {  	_ =	swait.ge [sflag:s23], $0x1  }
0xa4: {  	[sflag:s23] =	ssyncset.done $0x0  }
0xa5: {  	s25 =	simm.s32 $0x1B8E;
	s24 =	sld [smem:$0x3FFE];
	[sflag:s23] =	ssyncadd.s32 $0xFFFFFFFF  }
0xa6: {  	s26 =	simm.s32 $execute0_lowered;
	[smem:$0x3FD2] =	sst s25  }
0xa7: {  	s6 =	sshll.u32 s26, $0x1;
	_ =	strace $0x80000046;
	[dreg:$0x1] =	wrdreg $0xFFFFFFFF  }
0xa8: {  	s28 =	simm.s32 $_size_execute0_lowered;
	s4 =	sadd.s32 s4, s6;
	[dreg:$0x0] =	wrdreg $0x0  }
0xa9: {  	s6 =	sshll.u32 s28, $0x1;
	[dreg:$0x2] =	wrdreg s4  }
0xaa: {  	[dreg:$0x3] =	wrdreg s6  }
0xab: {  	[dreg:$0x4] =	wrdreg $0xC0  }
0xac: {  	_ =	task [dreg:s8], $0x5FFFF  }
0xad: {  	[dreg:$0x1] =	wrdreg $0xFFFFFFFF  }
0xae: {  	[dreg:$0x0] =	wrdreg $0x60  }
0xaf: {  	[dreg:$0x2] =	wrdreg s2  }
0xb0: {  	[dreg:$0x3] =	wrdreg s24  }
0xb1: {  	[dreg:$0x4] =	wrdreg s18  }
0xb2: {  	[dreg:$0x5] =	wrdreg $0x9  }
0xb3: {  	_ =	task.clear_ibuf [dreg:s8], $0x6FFFF;
	_ =	strace $0x90000046  }
0xb4: {  	s29 =	simm.s32 $0x9;
	_ =	strace $0x80000048  }
0xb5: {  	_ =	swait.ge [sflag:s29], $0x1  }
0xb6: {  	[sflag:s29] =	ssyncadd.s32 $0xFFFFFFFF  }
0xb7: {  	_ =	strace $0x90000048  }
0xb8: {  	_ =	sfence  }
0xb9: {  	s30 =	sld [smem:$0x0];
	_ =	sdelay $0x2  }
0xba: {  	s31 =	sshll.u32 s1, $0xD;
	s1 =	sshrl.u32 s1, $0x2  }
0xbb: {  	s3 =	sand.u32 $0x4000, s31;
	s1 =	sadd.s32 s1, s30  }
0xbc: {  	s0 =	sor.u32 s3, s0;
	s1 =	sshll.u32 s1, $0x11  }
0xbd: {  	s0 =	sor.u32 s1, s0  }
0xbe: {  	s0 =	sadd.s32 $0x8F2B, s0  }
0xbf: {  	[sflag:s0] =	ssyncadd.remote.s32 $0x1  }
0xc0: {  	_ =	sfence.sel $0xFFFF  }
0xc1: {  	[dreg:$0x0] =	wrdreg $0xFFFFFFFF;
	(pc) =	sbr.abs _section_cstart, $3  }
0xc2: {  	[dreg:$0x1] =	wrdreg $0xFFFFFFFF  }
0xc3: {  	_ =	task.clear_ibuf [dreg:s8], $0x2FFFF;
	_ =	strace $0x9FFFFFFF  }
0xc4: {  	(tm) =	ssettm $0x7FFFFFFF  }
0xc5: {  	_ =	shalt  }
tec
execute0_lowered:
.L_overlay_start_1:
0x0: {  	(tag) =	ssettag $0x1  }
0x1: {  	s1 =	rddreg [dreg:$0x0]  }
0x2: {  	s0 =	rddreg [dreg:$0x1]  }
0x3: {  	s9 =	rddreg [dreg:$0x2]  }
0x4: {  	s2 =	srdreg.scid;
	s4 =	simm.s32 $0x0;
	s3 =	stileid.u32  }
0x5: {  	s15 =	simm.s32 $0xC380;
	s16 =	simm.s32 $0xCB80;
	s28 =	simm.s32 $0x11B80  }
0x6: {  	s29 =	simm.s32 $0x8380;
	s30 =	simm.s32 $0x2;
	s31 =	simm.s32 $0x12380  }
0x7: {  	s2 =	sand.u32 $0x1, s2;
	s5 =	sshll.u32 s3, $0x9;
	s7 =	sshrl.u32 s3, $0x2  }
0x8: {  	[smem:$0x7FF] =	sst s4;
	s19 =	sadd.s32 $0xC00, s0;
	s11 =	sadd.s32 $0x100, s1  }
0x9: {  	s6 =	sshll.u32 s2, $0x8;
	s17 =	smul.u32 $0x1800, s7;
	_ =	strace $0x80000047  }
0xa: {  	s2 =	ssub.s32 $0x2, s2;
	[dreg:$0x4] =	wrdreg s19;
	s5 =	sor.u32 s6, s5  }
0xb: {  	s19 =	simm.s32 $0xDB80;
	s8 =	sshrl.u32 s2, $0x1;
	s18 =	sand.u32 $0x700, s5  }
0xc: {  	s2 =	ssub.s32 s2, s8;
	s24 =	sshll.u32 s5, $0x6;
	s6 =	sor.u32 s17, s18  }
0xd: {  	s25 =	sadd.s32 s1, s24;
	s13 =	sadd.s32 s9, s24;
	s26 =	smax.u32 s2, $0x1  }
0xe: {  	s18 =	simm.s32 $0x1;
	s2 =	simm.s32 $0xA380;
	s17 =	simm.s32 $0xD380  }
0xf: {  	s24 =	simm.s32 $0x10380;
	s7 =	sshrl.u32 s6, $0x3;
	[dreg:$0x8] =	wrdreg s25  }
0x10: {  	s20 =	sadd.s32 $0x800, s6;
	s6 =	sadd.s32 $0x1000, s6;
	[dreg:$0xa] =	wrdreg s26  }
0x11: {  	s26 =	simm.s32 $0x11380;
	s21 =	sadd.s32 s0, s7;
	s22 =	sshrl.u32 s20, $0x3  }
.Ltmp0:
0x12: {  	s6 =	sshrl.u32 s6, $0x3;
	s20 =	simm.s32 $0xE380;
	(pc) =	sbr.rel .LBB2_1-.Ltmp0, $4  }
0x13: {  	[dreg:$0x5] =	wrdreg s21;
	s23 =	sadd.s32 s0, s22;
	s0 =	sadd.s32 s0, s6  }
0x14: {  	v2 =	vlaneseq.u32;
	s21 =	simm.s32 $0xEB80;
	s22 =	simm.s32 $0xF380;
	[dreg:$0x6] =	wrdreg s23  }
0x15: {  	vm0 =	vmmov $0xffff;
	v1 =	vshrl.u32 v2, $0x3;
	s6 =	simm.s32 $0x0;
	[dreg:$0x7] =	wrdreg s0;
	s0 =	sadd.s32 $0x400, s25  }
0x16: {  	v0 =	vand.u32 $0x7, v2;
	v2 =	vor.u32 $0x8, v2;
	v1 =	vmul.u32 $0x8, v1;
	s23 =	simm.s32 $0xFB80;
	s25 =	simm.s32 $0x10B80;
	[dreg:$0x9] =	wrdreg s0  }
.LBB2_8:
0x17: {  	s0 =	simm.s32 $0x3  }
0x18: {  	_ =	swait.ge [sflag:s0], $0x2000  }
0x19: {  	[sflag:s0] =	ssyncset.done $0x0  }
0x1a: {  	s3 =	simm.s32 $0x4;
	[sflag:s0] =	ssyncadd.s32 $0xFFFFE000  }
0x1b: {  	_ =	swait.ge [sflag:s3], $0x2000  }
0x1c: {  	s6 =	rddreg [dreg:$0xb]  }
0x1d: {  	s14 =	rddreg [dreg:$0xa];
	s6 =	sadd.s32 $0x1, s6  }
0x1e: {  	p0 =	sne.s32 s6, s14  }
.Ltmp1:
0x1f: {  	_ = 	snop;
	(pc) =	sbr.rel @!p0 .LBB2_9-.Ltmp1, $3  }
0x20: {  	_ =	sdelay $0x1  }
0x21: {  	[sflag:s3] =	ssyncset.done $0x0  }
0x22: {  	[sflag:s3] =	ssyncadd.s32 $0xFFFFE000  }
.LBB2_1:
0x23: {  	[dreg:$0xb] =	wrdreg s6  }
0x24: {  	s0 =	rddreg [dreg:$0x5]  }
0x25: {  	[tilespmem:s4], [sflag:$0x1] =	stream.linear.gather [hbm4b:s0+s4], $0x100, $0x38;
	[tilespmem:$0x14380] =	vst v63  }
0x26: {  	s8 =	rddreg [dreg:$0x6];
	s3 =	simm.s32 $0x100  }
0x27: {  	[tilespmem:s3], [sflag:$0x1] =	stream.linear.gather [hbm4b:s8+s4], $0x100, $0x38;
	[tilespmem:$0x14380] =	vst v63  }
0x28: {  	s9 =	rddreg [dreg:$0x7];
	s10 =	simm.s32 $0x200  }
0x29: {  	[tilespmem:s10], [sflag:$0x1] =	stream.linear.gather [hbm4b:s9+s4], $0x100, $0x38;
	[tilespmem:$0x14380] =	vst v63  }
0x2a: {  	s12 =	rddreg [dreg:$0x4];
	s14 =	simm.s32 $0x300  }
0x2b: {  	[tilespmem:s14], [sflag:$0x1] =	stream.linear.gather [hbm4b:s12+s4], $0x80, $0x38;
	[tilespmem:$0x14380] =	vst v63  }
0x2c: {  	_ =	swait.ge [sflag:s18], $0x100  }
0x2d: {  	[sflag:s18] =	ssyncset.done $0x0  }
0x2e: {  	[sflag:s18] =	ssyncadd.s32 $0xFFFFFF00  }
0x2f: {  	_ =	swait.ge [sflag:s18], $0x100  }
0x30: {  	[sflag:s18] =	ssyncset.done $0x0  }
0x31: {  	[sflag:s18] =	ssyncadd.s32 $0xFFFFFF00  }
0x32: {  	_ =	swait.ge [sflag:s18], $0x100  }
0x33: {  	[sflag:s18] =	ssyncset.done $0x0  }
0x34: {  	[sflag:s18] =	ssyncadd.s32 $0xFFFFFF00  }
0x35: {  	_ =	swait.ge [sflag:s18], $0x80  }
0x36: {  	[sflag:s18] =	ssyncset.done $0x0  }
0x37: {  	s7 =	simm.s32 $0x380;
	s6 =	rddreg [dreg:$0x8];
	[sflag:s18] =	ssyncadd.s32 $0xFFFFFF80  }
0x38: {  	v3 =	vld [tilespmem:$0x300];
	[tilespmem:s7], [sflag:$0x1] =	stream.linear.gather [hbm4b:s6+s4], $0x2000, $0x38  }
0x39: {  	v4 =	vld [tilespmem:$0x0];
	_ =	sdelay $0x4  }
0x3a: {  	v5 =	vshll.u32 v4, $0x2  }
0x3b: {  	v4 =	vand.u32 $0x7, v4;
	v5 =	vand.u32 $0xFFFFFFE0, v5  }
0x3c: {  	v4 =	vor.u32 v4, v5  }
0x3d: {  	v5 =	vperm.xlane v4, v0;
	_ =	sdelay $0x1  }
0x3e: {  	v5 =	vadd.s32 v1, v5;
	_ =	sdelay $0x1  }
0x3f: {  	v4 =	vperm.xlane v4, v2;
	_ =	sdelay $0x1  }
0x40: {  	s8 =	simm.s32 $0x2380;
	v4 =	vadd.s32 v1, v4  }
0x41: {  	[tilespmem:s8], [sflag:$0x1] =	stream.indirect_vreg.gather [hbm4b:s1+s4], $0x80, v5, vm0, $0xb8;
	[tilespmem:$0x14380] =	vst v63  }
0x42: {  	s9 =	simm.s32 $0x2B80  }
0x43: {  	[tilespmem:s9], [sflag:$0x1] =	stream.indirect_vreg.gather [hbm4b:s11+s4], $0x80, v5, vm0, $0xb8;
	[tilespmem:$0x14380] =	vst v63  }
0x44: {  	s10 =	simm.s32 $0x3380  }
0x45: {  	[tilespmem:s10], [sflag:$0x1] =	stream.indirect_vreg.gather [hbm4b:s1+s4], $0x80, v4, vm0, $0xb8;
	[tilespmem:$0x14380] =	vst v63  }
0x46: {  	s12 =	simm.s32 $0x3B80  }
0x47: {  	[tilespmem:s12], [sflag:$0x1] =	stream.indirect_vreg.gather [hbm4b:s11+s4], $0x80, v4, vm0, $0xb8;
	[tilespmem:$0x14380] =	vst v63  }
0x48: {  	v4 =	vld [tilespmem:$0x100];
	_ =	sdelay $0x4  }
0x49: {  	v5 =	vshll.u32 v4, $0x2  }
0x4a: {  	v4 =	vand.u32 $0x7, v4;
	v5 =	vand.u32 $0xFFFFFFE0, v5  }
0x4b: {  	v4 =	vor.u32 v4, v5  }
0x4c: {  	v5 =	vperm.xlane v4, v0;
	_ =	sdelay $0x1  }
0x4d: {  	v5 =	vadd.s32 v1, v5;
	_ =	sdelay $0x1  }
0x4e: {  	v4 =	vperm.xlane v4, v2;
	_ =	sdelay $0x1  }
0x4f: {  	s14 =	simm.s32 $0x4380;
	v4 =	vadd.s32 v1, v4  }
0x50: {  	[tilespmem:s14], [sflag:$0x1] =	stream.indirect_vreg.gather [hbm4b:s1+s4], $0x80, v5, vm0, $0xb8;
	[tilespmem:$0x14380] =	vst v63  }
0x51: {  	s3 =	simm.s32 $0x4B80  }
0x52: {  	[tilespmem:s3], [sflag:$0x1] =	stream.indirect_vreg.gather [hbm4b:s11+s4], $0x80, v5, vm0, $0xb8;
	[tilespmem:$0x14380] =	vst v63  }
0x53: {  	s6 =	simm.s32 $0x5380  }
0x54: {  	[tilespmem:s6], [sflag:$0x1] =	stream.indirect_vreg.gather [hbm4b:s1+s4], $0x80, v4, vm0, $0xb8;
	[tilespmem:$0x14380] =	vst v63  }
0x55: {  	s7 =	simm.s32 $0x5B80  }
0x56: {  	[tilespmem:s7], [sflag:$0x1] =	stream.indirect_vreg.gather [hbm4b:s11+s4], $0x80, v4, vm0, $0xb8;
	[tilespmem:$0x14380] =	vst v63  }
0x57: {  	v4 =	vld [tilespmem:$0x200];
	_ =	sdelay $0x4  }
0x58: {  	v5 =	vshll.u32 v4, $0x2  }
0x59: {  	v4 =	vand.u32 $0x7, v4;
	v5 =	vand.u32 $0xFFFFFFE0, v5  }
0x5a: {  	v4 =	vor.u32 v4, v5  }
0x5b: {  	v5 =	vperm.xlane v4, v0;
	_ =	sdelay $0x1  }
0x5c: {  	v5 =	vadd.s32 v1, v5;
	_ =	sdelay $0x1  }
0x5d: {  	v4 =	vperm.xlane v4, v2;
	_ =	sdelay $0x1  }
0x5e: {  	s8 =	simm.s32 $0x6380;
	v4 =	vadd.s32 v1, v4  }
0x5f: {  	[tilespmem:s8], [sflag:$0x1] =	stream.indirect_vreg.gather [hbm4b:s1+s4], $0x80, v5, vm0, $0xb8;
	[tilespmem:$0x14380] =	vst v63  }
0x60: {  	s9 =	simm.s32 $0x6B80  }
0x61: {  	[tilespmem:s9], [sflag:$0x1] =	stream.indirect_vreg.gather [hbm4b:s11+s4], $0x80, v5, vm0, $0xb8;
	[tilespmem:$0x14380] =	vst v63  }
0x62: {  	s10 =	simm.s32 $0x7380  }
0x63: {  	[tilespmem:s10], [sflag:$0x1] =	stream.indirect_vreg.gather [hbm4b:s1+s4], $0x80, v4, vm0, $0xb8;
	[tilespmem:$0x14380] =	vst v63  }
0x64: {  	s12 =	simm.s32 $0x7B80  }
0x65: {  	[tilespmem:s12], [sflag:$0x1] =	stream.indirect_vreg.gather [hbm4b:s11+s4], $0x80, v4, vm0, $0xb8;
	[tilespmem:$0x14380] =	vst v63  }
0x66: {  	s14 =	rddreg [dreg:$0x9]  }
0x67: {  	[tilespmem:s2], [sflag:$0x2] =	stream.linear.gather [hbm4b:s14+s4], $0x2000, $0x38;
	[tilespmem:$0x14380] =	vst v63  }
0x68: {  	v4 =	vld [tilespmem:$0x10];
	_ =	sdelay $0x4  }
0x69: {  	v5 =	vshll.u32 v4, $0x2  }
0x6a: {  	v4 =	vand.u32 $0x7, v4;
	v5 =	vand.u32 $0xFFFFFFE0, v5  }
0x6b: {  	v4 =	vor.u32 v4, v5  }
0x6c: {  	v5 =	vperm.xlane v4, v0;
	_ =	sdelay $0x1  }
0x6d: {  	v5 =	vadd.s32 v1, v5;
	_ =	sdelay $0x1  }
0x6e: {  	v4 =	vperm.xlane v4, v2;
	_ =	sdelay $0x1  }
0x6f: {  	v4 =	vadd.s32 v1, v4  }
0x70: {  	[tilespmem:s15], [sflag:$0x2] =	stream.indirect_vreg.gather [hbm4b:s1+s4], $0x80, v5, vm0, $0xb8;
	[tilespmem:$0x14380] =	vst v63  }
0x71: {  	_ = 	snop  }
0x72: {  	[tilespmem:s16], [sflag:$0x2] =	stream.indirect_vreg.gather [hbm4b:s11+s4], $0x80, v5, vm0, $0xb8;
	[tilespmem:$0x14380] =	vst v63  }
0x73: {  	_ = 	snop  }
0x74: {  	[tilespmem:s17], [sflag:$0x2] =	stream.indirect_vreg.gather [hbm4b:s1+s4], $0x80, v4, vm0, $0xb8;
	[tilespmem:$0x14380] =	vst v63  }
0x75: {  	_ = 	snop  }
0x76: {  	[tilespmem:s19], [sflag:$0x2] =	stream.indirect_vreg.gather [hbm4b:s11+s4], $0x80, v4, vm0, $0xb8;
	[tilespmem:$0x14380] =	vst v63  }
0x77: {  	v4 =	vld [tilespmem:$0x110];
	_ =	sdelay $0x4  }
0x78: {  	v5 =	vshll.u32 v4, $0x2  }
0x79: {  	v4 =	vand.u32 $0x7, v4;
	v5 =	vand.u32 $0xFFFFFFE0, v5  }
0x7a: {  	v4 =	vor.u32 v4, v5  }
0x7b: {  	v5 =	vperm.xlane v4, v0;
	_ =	sdelay $0x1  }
0x7c: {  	v5 =	vadd.s32 v1, v5;
	_ =	sdelay $0x1  }
0x7d: {  	v4 =	vperm.xlane v4, v2;
	_ =	sdelay $0x1  }
0x7e: {  	v4 =	vadd.s32 v1, v4  }
0x7f: {  	[tilespmem:s20], [sflag:$0x2] =	stream.indirect_vreg.gather [hbm4b:s1+s4], $0x80, v5, vm0, $0xb8;
	[tilespmem:$0x14380] =	vst v63  }
0x80: {  	_ = 	snop  }
0x81: {  	[tilespmem:s21], [sflag:$0x2] =	stream.indirect_vreg.gather [hbm4b:s11+s4], $0x80, v5, vm0, $0xb8;
	[tilespmem:$0x14380] =	vst v63  }
0x82: {  	_ = 	snop  }
0x83: {  	[tilespmem:s22], [sflag:$0x2] =	stream.indirect_vreg.gather [hbm4b:s1+s4], $0x80, v4, vm0, $0xb8;
	[tilespmem:$0x14380] =	vst v63  }
0x84: {  	_ = 	snop  }
0x85: {  	[tilespmem:s23], [sflag:$0x2] =	stream.indirect_vreg.gather [hbm4b:s11+s4], $0x80, v4, vm0, $0xb8;
	[tilespmem:$0x14380] =	vst v63  }
0x86: {  	v4 =	vld [tilespmem:$0x210];
	_ =	sdelay $0x4  }
0x87: {  	v5 =	vshll.u32 v4, $0x2  }
0x88: {  	v4 =	vand.u32 $0x7, v4;
	v5 =	vand.u32 $0xFFFFFFE0, v5  }
0x89: {  	v4 =	vor.u32 v4, v5  }
0x8a: {  	v5 =	vperm.xlane v4, v0;
	_ =	sdelay $0x1  }
0x8b: {  	v5 =	vadd.s32 v1, v5;
	_ =	sdelay $0x1  }
0x8c: {  	v4 =	vperm.xlane v4, v2;
	_ =	sdelay $0x1  }
0x8d: {  	v4 =	vadd.s32 v1, v4  }
0x8e: {  	[tilespmem:s24], [sflag:$0x2] =	stream.indirect_vreg.gather [hbm4b:s1+s4], $0x80, v5, vm0, $0xb8;
	[tilespmem:$0x14380] =	vst v63  }
0x8f: {  	_ = 	snop  }
0x90: {  	[tilespmem:s25], [sflag:$0x2] =	stream.indirect_vreg.gather [hbm4b:s11+s4], $0x80, v5, vm0, $0xb8;
	[tilespmem:$0x14380] =	vst v63  }
0x91: {  	_ = 	snop  }
0x92: {  	[tilespmem:s26], [sflag:$0x2] =	stream.indirect_vreg.gather [hbm4b:s1+s4], $0x80, v4, vm0, $0xb8;
	[tilespmem:$0x14380] =	vst v63  }
0x93: {  	v3 =	vmax.f32 v3, $0.0e+00  }
0x94: {  	[tilespmem:s28], [sflag:$0x2] =	stream.indirect_vreg.gather [hbm4b:s11+s4], $0x80, v4, vm0, $0xb8;
	v4 =	vmin.f32 v3, $1.000000000e+00;
	[tilespmem:$0x14380] =	vst v63  }
0x95: {  	v3 =	vsub.f32 $1.000000000e+00, v4  }
0x96: {  	s8 =	simm.s32 $0x0;
	v4 =	vmul.f32 $3.333333430e-01, v4  }
.LBB2_2:
0x97: {  	_ =	swait.ge [sflag:s18], $0x2000  }
0x98: {  	[sflag:s18] =	ssyncset.done $0x0  }
0x99: {  	[sflag:s18] =	ssyncadd.s32 $0xFFFFE000  }
0x9a: {  	_ =	swait.ge [sflag:s18], $0x2000  }
0x9b: {  	[sflag:s18] =	ssyncset.done $0x0  }
0x9c: {  	[sflag:s18] =	ssyncadd.s32 $0xFFFFE000  }
0x9d: {  	_ =	swait.ge [sflag:s18], $0x2000  }
0x9e: {  	[sflag:s18] =	ssyncset.done $0x0  }
0x9f: {  	[sflag:s18] =	ssyncadd.s32 $0xFFFFE000  }
0xa0: {  	_ =	swait.ge [sflag:s18], $0x2000  }
0xa1: {  	p0 =	seq.s32 s8, $0x0;
	[sflag:s18] =	ssyncset.done $0x0  }
0xa2: {  	s14 =	simm.s32 $0x0;
	s0 =	simm.s32 @!p0 $0x3;
	[sflag:s18] =	ssyncadd.s32 $0xFFFFE000  }
0xa3: {  	s6 =	sand.u32 $0x1000, s14;
	s9 =	sand.u32 $0x800, s14;
	_ =	swait.ge @!p0 [sflag:s0], $0x2000  }
0xa4: {  	s12 =	sand.u32 $0x380, s14;
	s6 =	sor.u32 s9, s6;
	[sflag:s0] =	ssyncset.done @!p0 $0x0  }
0xa5: {  	s12 =	sor.u32 s12, s6;
	[sflag:s0] =	ssyncadd.s32 @!p0 $0xFFFFE000  }
0xa6: {  	v5 =	vld [tilespmem:s12+$0x27F0]  }
0xa7: {  	v6 =	vld [tilespmem:s12+$0x47F0]  }
0xa8: {  	v7 =	vld [tilespmem:s12+$0x2380]  }
0xa9: {  	v8 =	vld [tilespmem:s12+$0x67F0]  }
0xaa: {  	v9 =	vld [tilespmem:s12+$0x4380]  }
0xab: {  	v10 =	vld [tilespmem:s12+$0x7F0]  }
0xac: {  	v11 =	vld [tilespmem:s12+$0x2390]  }
0xad: {  	v12 =	vld [tilespmem:s12+$0x4390]  }
0xae: {  	v13 =	vld [tilespmem:s12+$0x23A0]  }
0xaf: {  	v14 =	vld [tilespmem:s12+$0x43A0]  }
0xb0: {  	v15 =	vld [tilespmem:s12+$0x23B0]  }
0xb1: {  	v16 =	vld [tilespmem:s12+$0x43B0]  }
0xb2: {  	v17 =	vld [tilespmem:s12+$0x23C0]  }
0xb3: {  	v18 =	vld [tilespmem:s12+$0x43C0]  }
0xb4: {  	v19 =	vld [tilespmem:s12+$0x23D0]  }
0xb5: {  	v20 =	vld [tilespmem:s12+$0x43D0]  }
0xb6: {  	v21 =	vld [tilespmem:s12+$0x23E0]  }
0xb7: {  	v22 =	vld [tilespmem:s12+$0x43E0]  }
0xb8: {  	v23 =	vld [tilespmem:s12+$0x23F0]  }
0xb9: {  	v24 =	vld [tilespmem:s12+$0x43F0]  }
0xba: {  	v25 =	vld [tilespmem:s12+$0x2780]  }
0xbb: {  	v26 =	vld [tilespmem:s12+$0x4780]  }
0xbc: {  	v27 =	vld [tilespmem:s12+$0x2790]  }
0xbd: {  	v28 =	vld [tilespmem:s12+$0x4790]  }
0xbe: {  	v29 =	vld [tilespmem:s12+$0x27A0]  }
0xbf: {  	v30 =	vld [tilespmem:s12+$0x47A0]  }
0xc0: {  	v31 =	vld [tilespmem:s12+$0x27B0]  }
0xc1: {  	v32 =	vld [tilespmem:s12+$0x47B0]  }
0xc2: {  	v33 =	vld [tilespmem:s12+$0x27C0]  }
0xc3: {  	v34 =	vld [tilespmem:s12+$0x47C0]  }
0xc4: {  	v35 =	vld [tilespmem:s12+$0x27D0]  }
0xc5: {  	v36 =	vld [tilespmem:s12+$0x47D0]  }
0xc6: {  	v37 =	vld [tilespmem:s12+$0x47E0]  }
0xc7: {  	v38 =	vld [tilespmem:s12+$0x6390]  }
0xc8: {  	v39 =	vld [tilespmem:s12+$0x63A0]  }
0xc9: {  	v52 =	vld [tilespmem:s12+$0x6790];
	v5 =	vadd.f32 v6, v5  }
0xca: {  	v6 =	vld [tilespmem:s12+$0x27E0]  }
0xcb: {  	v55 =	vld [tilespmem:s12+$0x67A0];
	v5 =	vadd.f32 v8, v5  }
0xcc: {  	v60 =	vld [tilespmem:s12+$0x3B0];
	v10 =	vmul.f32 v10, v3;
	v7 =	vadd.f32 v9, v7  }
0xcd: {  	v9 =	vld [tilespmem:s12+$0x63B0];
	v11 =	vadd.f32 v12, v11;
	v50 =	vadd.f32 v30, v29;
	v5 =	vmul.f32 v5, v4  }
0xce: {  	v51 =	vadd.f32 v32, v31;
	v54 =	vadd.f32 v36, v35;
	v8 =	vld [tilespmem:s12+$0x6380]  }
0xcf: {  	v56 =	vadd.f32 v37, v6;
	v12 =	vadd.f32 v5, v10;
	v5 =	vld [tilespmem:s12+$0x63C0]  }
0xd0: {  	v10 =	vadd.f32 v14, v13;
	v13 =	vadd.f32 v16, v15;
	v14 =	vld [tilespmem:s12+$0x63D0]  }
0xd1: {  	v15 =	vadd.f32 v18, v17;
	v16 =	vadd.f32 v20, v19;
	v17 =	vld [tilespmem:s12+$0x63E0]  }
0xd2: {  	v18 =	vadd.f32 v22, v21;
	v19 =	vadd.f32 v24, v23;
	v20 =	vld [tilespmem:s12+$0x63F0]  }
0xd3: {  	v21 =	vadd.f32 v26, v25;
	v22 =	vadd.f32 v28, v27;
	v23 =	vld [tilespmem:s12+$0x6780]  }
0xd4: {  	v6 =	vadd.f32 v8, v7;
	v7 =	vld [tilespmem:s12+$0x67B0];
	v8 =	vadd.f32 v38, v11  }
0xd5: {  	v11 =	vld [tilespmem:s12+$0x67C0];
	v10 =	vadd.f32 v39, v10;
	v9 =	vadd.f32 v9, v13  }
0xd6: {  	v63 =	vmul.f32 v60, v3;
	v5 =	vadd.f32 v5, v15;
	v15 =	vld [tilespmem:s12+$0x67D0];
	v13 =	vadd.f32 v14, v16  }
0xd7: {  	v57 =	vmul.f32 v9, v4;
	v16 =	vadd.f32 v17, v18;
	v18 =	vadd.f32 v20, v19;
	v20 =	vld [tilespmem:s12+$0x380]  }
0xd8: {  	v9 =	vadd.f32 v55, v50;
	v19 =	vadd.f32 v23, v21;
	v23 =	vmul.f32 v8, v4;
	v8 =	vld [tilespmem:s12+$0x390]  }
0xd9: {  	v58 =	vld [tilespmem:s12+$0x3A0];
	v21 =	vmul.f32 v6, v4;
	v6 =	vadd.f32 v52, v22;
	v22 =	vmul.f32 v10, v4  }
0xda: {  	v17 =	vld [tilespmem:s12+$0x67E0];
	v25 =	vadd.f32 v7, v51;
	v7 =	vmul.f32 v9, v4;
	v59 =	vmul.f32 v5, v4  }
0xdb: {  	v53 =	vadd.f32 v34, v33;
	v14 =	vmul.f32 v13, v4;
	v10 =	vmul.f32 v18, v4;
	v18 =	vld [tilespmem:s12+$0x3C0]  }
0xdc: {  	v13 =	vmul.f32 v16, v4;
	v61 =	vadd.f32 v15, v54;
	v15 =	vmul.f32 v20, v3;
	v20 =	vld [tilespmem:s12+$0x3D0]  }
0xdd: {  	v62 =	vld [tilespmem:s12+$0x3E0];
	v11 =	vadd.f32 v11, v53;
	v5 =	vmul.f32 v19, v4;
	v16 =	vmul.f32 v8, v3  }
0xde: {  	v6 =	vmul.f32 v6, v4;
	v19 =	vld [tilespmem:s12+$0x3F0];
	v15 =	vadd.f32 v21, v15;
	v21 =	vmul.f32 v58, v3  }
0xdf: {  	[tilespmem:s12+$0x87F0] =	vst v12;
	v9 =	vmul.f32 v11, v4;
	v17 =	vadd.f32 v17, v56;
	v23 =	vadd.f32 v23, v16;
	v16 =	vld [tilespmem:s12+$0x780]  }
0xe0: {  	v8 =	vmul.f32 v25, v4;
	v18 =	vmul.f32 v18, v3;
	[tilespmem:s12+$0x8380] =	vst v15;
	v21 =	vadd.f32 v22, v21;
	v15 =	vld [tilespmem:s12+$0x790]  }
0xe1: {  	s10 =	simm.s32 $0x0;
	v11 =	vmul.f32 v17, v4;
	v17 =	vld [tilespmem:s12+$0x7A0];
	[tilespmem:s12+$0x8390] =	vst v23;
	v22 =	vadd.f32 v57, v63;
	v23 =	vmul.f32 v20, v3  }
0xe2: {  	s9 =	sshll.u32 s8, $0x5;
	s6 =	simm.s32 $0x100;
	s0 =	simm.s32 $0x800;
	v12 =	vmul.f32 v61, v4;
	v20 =	vadd.f32 v59, v18;
	v18 =	vld [tilespmem:s12+$0x7B0];
	[tilespmem:s12+$0x83A0] =	vst v21;
	v21 =	vmul.f32 v62, v3  }
.LBB2_3:
0xe3: {  	s7 =	sand.u32 $0x1000, s6;
	s3 =	sand.u32 $0x800, s0;
	[tilespmem:s12+$0x83B0] =	vst v22;
	v14 =	vadd.f32 v14, v23;
	v19 =	vmul.f32 v19, v3;
	v22 =	vld [tilespmem:s12+$0x7C0];
	s14 =	sadd.s32 $0x40, s14  }
0xe4: {  	s10 =	sadd.s32 $0x10, s10;
	s3 =	sor.u32 s3, s7;
	s7 =	sand.u32 $0x380, s14;
	[tilespmem:s12+$0x83C0] =	vst v20;
	v13 =	vadd.f32 v13, v21;
	v16 =	vmul.f32 v16, v3;
	v20 =	vld [tilespmem:s12+$0x7D0]  }
0xe5: {  	p1 =	slt.u32 s10, $0x1F0;
	s3 =	sor.u32 s7, s3;
	[tilespmem:s12+$0x83D0] =	vst v14;
	v10 =	vadd.f32 v10, v19;
	v14 =	vmul.f32 v15, v3;
	v15 =	vld [tilespmem:s12+$0x7E0]  }
0xe6: {  	v19 =	vld [tilespmem:s3+$0x27F0];
	[tilespmem:s12+$0x83E0] =	vst v13;
	v5 =	vadd.f32 v5, v16;
	v13 =	vmul.f32 v17, v3  }
0xe7: {  	v16 =	vld [tilespmem:s3+$0x47F0];
	[tilespmem:s12+$0x83F0] =	vst v10;
	v6 =	vadd.f32 v6, v14;
	v10 =	vmul.f32 v18, v3  }
0xe8: {  	v14 =	vld [tilespmem:s3+$0x2380];
	[tilespmem:s12+$0x8780] =	vst v5;
	v5 =	vadd.f32 v7, v13;
	v7 =	vmul.f32 v22, v3  }
0xe9: {  	v13 =	vld [tilespmem:s3+$0x67F0];
	[tilespmem:s12+$0x8790] =	vst v6;
	v6 =	vadd.f32 v8, v10;
	v8 =	vmul.f32 v20, v3  }
0xea: {  	v10 =	vld [tilespmem:s3+$0x4380];
	[tilespmem:s12+$0x87A0] =	vst v5;
	v5 =	vadd.f32 v9, v7;
	v7 =	vmul.f32 v15, v3  }
0xeb: {  	v9 =	vld [tilespmem:s3+$0x7F0];
	[tilespmem:s12+$0x87B0] =	vst v6;
	v6 =	vadd.f32 v12, v8  }
0xec: {  	v8 =	vld [tilespmem:s3+$0x2390];
	v12 =	vadd.f32 v16, v19;
	[tilespmem:s12+$0x87C0] =	vst v5;
	v5 =	vadd.f32 v11, v7  }
0xed: {  	v7 =	vld [tilespmem:s3+$0x4390];
	[tilespmem:s12+$0x87D0] =	vst v6  }
0xee: {  	v6 =	vld [tilespmem:s3+$0x23A0];
	v11 =	vadd.f32 v13, v12;
	[tilespmem:s12+$0x87E0] =	vst v5;
	s12 =	smov.u32 s3  }
0xef: {  	v5 =	vadd.f32 v10, v14;
	v10 =	vld [tilespmem:s12+$0x43A0]  }
0xf0: {  	v12 =	vld [tilespmem:s12+$0x23B0];
	v9 =	vmul.f32 v9, v3;
	v11 =	vmul.f32 v11, v4  }
0xf1: {  	v13 =	vld [tilespmem:s12+$0x43B0]  }
0xf2: {  	v7 =	vadd.f32 v7, v8;
	v8 =	vld [tilespmem:s12+$0x23C0];
	v9 =	vadd.f32 v11, v9  }
0xf3: {  	v11 =	vld [tilespmem:s12+$0x43C0]  }
0xf4: {  	v6 =	vadd.f32 v10, v6;
	v10 =	vld [tilespmem:s12+$0x23D0];
	[tilespmem:s12+$0x87F0] =	vst v9  }
0xf5: {  	v9 =	vld [tilespmem:s12+$0x43D0]  }
0xf6: {  	v12 =	vadd.f32 v13, v12;
	v13 =	vld [tilespmem:s12+$0x23E0]  }
0xf7: {  	v14 =	vld [tilespmem:s12+$0x43E0]  }
0xf8: {  	v8 =	vadd.f32 v11, v8;
	v11 =	vld [tilespmem:s12+$0x23F0]  }
0xf9: {  	v15 =	vld [tilespmem:s12+$0x43F0]  }
0xfa: {  	v9 =	vadd.f32 v9, v10;
	v10 =	vld [tilespmem:s12+$0x2780]  }
0xfb: {  	v16 =	vld [tilespmem:s12+$0x4780]  }
0xfc: {  	v13 =	vadd.f32 v14, v13;
	v14 =	vld [tilespmem:s12+$0x2790]  }
0xfd: {  	v17 =	vld [tilespmem:s12+$0x4790]  }
0xfe: {  	v11 =	vadd.f32 v15, v11;
	v15 =	vld [tilespmem:s12+$0x27A0]  }
0xff: {  	v18 =	vld [tilespmem:s12+$0x47A0]  }
0x100: {  	v10 =	vadd.f32 v16, v10;
	v16 =	vld [tilespmem:s12+$0x27B0]  }
0x101: {  	v19 =	vld [tilespmem:s12+$0x47B0]  }
0x102: {  	v17 =	vadd.f32 v17, v14;
	v14 =	vld [tilespmem:s12+$0x27C0]  }
0x103: {  	v20 =	vld [tilespmem:s12+$0x47C0]  }
0x104: {  	v15 =	vadd.f32 v18, v15;
	v18 =	vld [tilespmem:s12+$0x27D0]  }
0x105: {  	v21 =	vld [tilespmem:s12+$0x47D0]  }
0x106: {  	v16 =	vadd.f32 v19, v16;
	v19 =	vld [tilespmem:s12+$0x27E0]  }
0x107: {  	v22 =	vld [tilespmem:s12+$0x47E0]  }
0x108: {  	v23 =	vld [tilespmem:s12+$0x6380];
	v20 =	vadd.f32 v20, v14  }
0x109: {  	v14 =	vld [tilespmem:s12+$0x6390]  }
0x10a: {  	v24 =	vld [tilespmem:s12+$0x63A0];
	v18 =	vadd.f32 v21, v18  }
0x10b: {  	v21 =	vld [tilespmem:s12+$0x63B0]  }
0x10c: {  	v25 =	vld [tilespmem:s12+$0x63C0];
	v19 =	vadd.f32 v22, v19  }
0x10d: {  	v5 =	vadd.f32 v23, v5;
	v22 =	vld [tilespmem:s12+$0x63D0]  }
0x10e: {  	v7 =	vadd.f32 v14, v7;
	v14 =	vld [tilespmem:s12+$0x63E0]  }
0x10f: {  	v23 =	vmul.f32 v5, v4;
	v5 =	vadd.f32 v24, v6;
	v6 =	vld [tilespmem:s12+$0x63F0]  }
0x110: {  	v24 =	vmul.f32 v7, v4;
	v7 =	vadd.f32 v21, v12;
	v12 =	vld [tilespmem:s12+$0x6780]  }
0x111: {  	v21 =	vmul.f32 v5, v4;
	v5 =	vadd.f32 v25, v8;
	v8 =	vld [tilespmem:s12+$0x6790]  }
0x112: {  	v25 =	vmul.f32 v7, v4;
	v7 =	vadd.f32 v22, v9;
	v9 =	vld [tilespmem:s12+$0x67A0]  }
0x113: {  	v26 =	vmul.f32 v5, v4;
	v5 =	vadd.f32 v14, v13;
	v22 =	vld [tilespmem:s12+$0x67B0]  }
0x114: {  	v14 =	vmul.f32 v7, v4;
	v6 =	vadd.f32 v6, v11;
	v11 =	vld [tilespmem:s12+$0x67C0]  }
0x115: {  	v13 =	vmul.f32 v5, v4;
	v5 =	vadd.f32 v12, v10;
	v12 =	vld [tilespmem:s12+$0x67D0]  }
0x116: {  	v10 =	vmul.f32 v6, v4;
	v6 =	vadd.f32 v8, v17;
	v17 =	vld [tilespmem:s12+$0x67E0]  }
0x117: {  	v27 =	vld [tilespmem:s12+$0x380];
	v5 =	vmul.f32 v5, v4;
	v7 =	vadd.f32 v9, v15  }
0x118: {  	v15 =	vld [tilespmem:s12+$0x390];
	v6 =	vmul.f32 v6, v4;
	v8 =	vadd.f32 v22, v16  }
0x119: {  	v16 =	vld [tilespmem:s12+$0x3A0];
	v7 =	vmul.f32 v7, v4;
	v9 =	vadd.f32 v11, v20  }
0x11a: {  	v20 =	vld [tilespmem:s12+$0x3B0];
	v8 =	vmul.f32 v8, v4;
	v11 =	vadd.f32 v12, v18  }
0x11b: {  	v18 =	vld [tilespmem:s12+$0x3C0];
	v9 =	vmul.f32 v9, v4;
	v17 =	vadd.f32 v17, v19  }
0x11c: {  	v19 =	vmul.f32 v27, v3;
	v27 =	vld [tilespmem:s12+$0x3D0];
	v12 =	vmul.f32 v11, v4  }
0x11d: {  	v15 =	vmul.f32 v15, v3;
	v28 =	vld [tilespmem:s12+$0x3E0];
	v11 =	vmul.f32 v17, v4  }
.Ltmp2:
0x11e: {  	v17 =	vadd.f32 v23, v19;
	v22 =	vmul.f32 v16, v3;
	v19 =	vld [tilespmem:s12+$0x3F0];
	(pc) =	sbr.rel @p1 .LBB2_3-.Ltmp2, $4  }
0x11f: {  	v23 =	vadd.f32 v24, v15;
	v20 =	vmul.f32 v20, v3;
	v16 =	vld [tilespmem:s12+$0x780]  }
0x120: {  	[tilespmem:s12+$0x8380] =	vst v17;
	v21 =	vadd.f32 v21, v22;
	v18 =	vmul.f32 v18, v3;
	v15 =	vld [tilespmem:s12+$0x790]  }
0x121: {  	[tilespmem:s12+$0x8390] =	vst v23;
	v22 =	vadd.f32 v25, v20;
	v23 =	vmul.f32 v27, v3;
	v17 =	vld [tilespmem:s12+$0x7A0]  }
0x122: {  	s0 =	sadd.s32 $0x800, s0;
	s6 =	sadd.s32 $0x100, s6;
	[tilespmem:s12+$0x83A0] =	vst v21;
	v20 =	vadd.f32 v26, v18;
	v21 =	vmul.f32 v28, v3;
	v18 =	vld [tilespmem:s12+$0x7B0]  }
0x123: {  	[tilespmem:s12+$0x83B0] =	vst v22;
	v14 =	vadd.f32 v14, v23;
	v19 =	vmul.f32 v19, v3;
	v22 =	vld [tilespmem:s12+$0x7C0]  }
0x124: {  	[tilespmem:s12+$0x83C0] =	vst v20;
	v13 =	vadd.f32 v13, v21;
	v16 =	vmul.f32 v16, v3;
	v20 =	vld [tilespmem:s12+$0x7D0]  }
0x125: {  	[tilespmem:s12+$0x83D0] =	vst v14;
	v10 =	vadd.f32 v10, v19;
	v14 =	vmul.f32 v15, v3;
	v15 =	vld [tilespmem:s12+$0x7E0]  }
0x126: {  	[tilespmem:s12+$0x83E0] =	vst v13;
	v5 =	vadd.f32 v5, v16;
	v13 =	vmul.f32 v17, v3  }
0x127: {  	[tilespmem:s12+$0x83F0] =	vst v10;
	v6 =	vadd.f32 v6, v14;
	v10 =	vmul.f32 v18, v3  }
0x128: {  	[tilespmem:s12+$0x8780] =	vst v5;
	v5 =	vadd.f32 v7, v13;
	v7 =	vmul.f32 v22, v3  }
0x129: {  	[tilespmem:s12+$0x8790] =	vst v6;
	v6 =	vadd.f32 v8, v10;
	v8 =	vmul.f32 v20, v3  }
0x12a: {  	[tilespmem:s12+$0x87A0] =	vst v5;
	v5 =	vadd.f32 v9, v7;
	v7 =	vmul.f32 v15, v3  }
0x12b: {  	[tilespmem:s12+$0x87B0] =	vst v6;
	v6 =	vadd.f32 v12, v8  }
0x12c: {  	[tilespmem:s12+$0x87C0] =	vst v5;
	v5 =	vadd.f32 v11, v7  }
0x12d: {  	s0 =	sshll.u32 s8, $0xB;
	[tilespmem:s12+$0x87D0] =	vst v6  }
0x12e: {  	p1 =	seq.s32 s8, $0x7;
	s0 =	sadd.s32 s0, s13;
	[tilespmem:s12+$0x87E0] =	vst v5  }
0x12f: {  	[hbm4b:s0+s4] =	stream.linear.scatter [tilespmem:s29], [sflag:$0x3], $0x2000, $0x38;
	[tilespmem:$0x14380] =	vst v63  }
0x130: {  	s0 =	sadd.s32 @!p1 $0x20, s9  }
0x131: {  	s0 =	sadd.s32 @!p1 s5, s0  }
0x132: {  	s0 =	sshll.u32 @!p1 s0, $0x6  }
0x133: {  	s3 =	simm.s32 @!p1 $0x0;
	s6 =	simm.s32 @!p1 $0x380;
	s0 =	sadd.s32 @!p1 s1, s0  }
0x134: {  	[tilespmem:s6], [sflag:$0x1] =	stream.linear.gather @!p1 [hbm4b:s0+s3], $0x2000, $0x38;
	[tilespmem:$0x14380] =	vst v63  }
0x135: {  	v5 =	vld @!p1 [tilespmem:s9+$0x20];
	_ =	sdelay $0x4  }
0x136: {  	v6 =	vshll.u32 @!p1 v5, $0x2  }
0x137: {  	v7 =	vlaneseq.u32 @!p1;
	v5 =	vand.u32 @!p1 $0x7, v5;
	v6 =	vand.u32 @!p1 $0xFFFFFFE0, v6  }
0x138: {  	v8 =	vshrl.u32 @!p1 v7, $0x3;
	v5 =	vor.u32 @!p1 v5, v6;
	v6 =	vand.u32 @!p1 $0x7, v7  }
0x139: {  	v8 =	vmul.u32 @!p1 $0x8, v8;
	v9 =	vperm.xlane @!p1 v5, v6;
	_ =	sdelay $0x1  }
0x13a: {  	v9 =	vadd.s32 @!p1 v8, v9  }
0x13b: {  	v7 =	vor.u32 @!p1 $0x8, v7  }
0x13c: {  	v5 =	vperm.xlane @!p1 v5, v7;
	_ =	sdelay $0x1  }
0x13d: {  	vm1 =	vmmov @!p1 $0xffff;
	s0 =	simm.s32 @!p1 $0x2380;
	v5 =	vadd.s32 @!p1 v8, v5  }
0x13e: {  	[tilespmem:s0], [sflag:$0x1] =	stream.indirect_vreg.gather @!p1 [hbm4b:s1+s3], $0x80, v9, vm1, $0xb8;
	[tilespmem:$0x14380] =	vst v63  }
0x13f: {  	s0 =	simm.s32 @!p1 $0x2B80  }
0x140: {  	[tilespmem:s0], [sflag:$0x1] =	stream.indirect_vreg.gather @!p1 [hbm4b:s11+s3], $0x80, v9, vm1, $0xb8;
	[tilespmem:$0x14380] =	vst v63  }
0x141: {  	s0 =	simm.s32 @!p1 $0x3380  }
0x142: {  	[tilespmem:s0], [sflag:$0x1] =	stream.indirect_vreg.gather @!p1 [hbm4b:s1+s3], $0x80, v5, vm1, $0xb8;
	[tilespmem:$0x14380] =	vst v63  }
0x143: {  	s0 =	simm.s32 @!p1 $0x3B80  }
0x144: {  	[tilespmem:s0], [sflag:$0x1] =	stream.indirect_vreg.gather @!p1 [hbm4b:s11+s3], $0x80, v5, vm1, $0xb8;
	[tilespmem:$0x14380] =	vst v63  }
0x145: {  	v5 =	vld @!p1 [tilespmem:s9+$0x120];
	_ =	sdelay $0x4  }
0x146: {  	v9 =	vshll.u32 @!p1 v5, $0x2  }
0x147: {  	v5 =	vand.u32 @!p1 $0x7, v5;
	v9 =	vand.u32 @!p1 $0xFFFFFFE0, v9  }
0x148: {  	v5 =	vor.u32 @!p1 v5, v9  }
0x149: {  	v9 =	vperm.xlane @!p1 v5, v6;
	_ =	sdelay $0x1  }
0x14a: {  	v9 =	vadd.s32 @!p1 v8, v9;
	_ =	sdelay $0x1  }
0x14b: {  	v5 =	vperm.xlane @!p1 v5, v7;
	_ =	sdelay $0x1  }
0x14c: {  	s0 =	simm.s32 @!p1 $0x4380;
	v5 =	vadd.s32 @!p1 v8, v5  }
0x14d: {  	[tilespmem:s0], [sflag:$0x1] =	stream.indirect_vreg.gather @!p1 [hbm4b:s1+s3], $0x80, v9, vm1, $0xb8;
	[tilespmem:$0x14380] =	vst v63  }
0x14e: {  	s0 =	simm.s32 @!p1 $0x4B80  }
0x14f: {  	[tilespmem:s0], [sflag:$0x1] =	stream.indirect_vreg.gather @!p1 [hbm4b:s11+s3], $0x80, v9, vm1, $0xb8;
	[tilespmem:$0x14380] =	vst v63  }
0x150: {  	s0 =	simm.s32 @!p1 $0x5380  }
0x151: {  	[tilespmem:s0], [sflag:$0x1] =	stream.indirect_vreg.gather @!p1 [hbm4b:s1+s3], $0x80, v5, vm1, $0xb8;
	[tilespmem:$0x14380] =	vst v63  }
0x152: {  	s0 =	simm.s32 @!p1 $0x5B80  }
0x153: {  	[tilespmem:s0], [sflag:$0x1] =	stream.indirect_vreg.gather @!p1 [hbm4b:s11+s3], $0x80, v5, vm1, $0xb8;
	[tilespmem:$0x14380] =	vst v63  }
0x154: {  	v5 =	vld @!p1 [tilespmem:s9+$0x220];
	_ =	sdelay $0x4  }
0x155: {  	v9 =	vshll.u32 @!p1 v5, $0x2  }
0x156: {  	v5 =	vand.u32 @!p1 $0x7, v5;
	v9 =	vand.u32 @!p1 $0xFFFFFFE0, v9  }
0x157: {  	v5 =	vor.u32 @!p1 v5, v9  }
0x158: {  	v6 =	vperm.xlane @!p1 v5, v6;
	_ =	sdelay $0x1  }
0x159: {  	v6 =	vadd.s32 @!p1 v8, v6;
	_ =	sdelay $0x1  }
0x15a: {  	v5 =	vperm.xlane @!p1 v5, v7;
	_ =	sdelay $0x1  }
0x15b: {  	s0 =	simm.s32 @!p1 $0x6380;
	v5 =	vadd.s32 @!p1 v8, v5  }
0x15c: {  	[tilespmem:s0], [sflag:$0x1] =	stream.indirect_vreg.gather @!p1 [hbm4b:s1+s3], $0x80, v6, vm1, $0xb8;
	[tilespmem:$0x14380] =	vst v63  }
0x15d: {  	s0 =	simm.s32 @!p1 $0x6B80  }
0x15e: {  	[tilespmem:s0], [sflag:$0x1] =	stream.indirect_vreg.gather @!p1 [hbm4b:s11+s3], $0x80, v6, vm1, $0xb8;
	[tilespmem:$0x14380] =	vst v63  }
0x15f: {  	s0 =	simm.s32 @!p1 $0x7380  }
0x160: {  	[tilespmem:s0], [sflag:$0x1] =	stream.indirect_vreg.gather @!p1 [hbm4b:s1+s3], $0x80, v5, vm1, $0xb8;
	[tilespmem:$0x14380] =	vst v63  }
0x161: {  	s0 =	simm.s32 @!p1 $0x7B80  }
0x162: {  	[tilespmem:s0], [sflag:$0x1] =	stream.indirect_vreg.gather @!p1 [hbm4b:s11+s3], $0x80, v5, vm1, $0xb8;
	[tilespmem:$0x14380] =	vst v63  }
0x163: {  	_ =	swait.ge [sflag:s30], $0x2000  }
0x164: {  	[sflag:s30] =	ssyncset.done $0x0  }
0x165: {  	[sflag:s30] =	ssyncadd.s32 $0xFFFFE000  }
0x166: {  	_ =	swait.ge [sflag:s30], $0x2000  }
0x167: {  	[sflag:s30] =	ssyncset.done $0x0  }
0x168: {  	[sflag:s30] =	ssyncadd.s32 $0xFFFFE000  }
0x169: {  	_ =	swait.ge [sflag:s30], $0x2000  }
0x16a: {  	[sflag:s30] =	ssyncset.done $0x0  }
0x16b: {  	[sflag:s30] =	ssyncadd.s32 $0xFFFFE000  }
0x16c: {  	_ =	swait.ge [sflag:s30], $0x2000  }
0x16d: {  	[sflag:s30] =	ssyncset.done $0x0  }
0x16e: {  	s14 =	simm.s32 $0x0;
	s0 =	simm.s32 @!p0 $0x4;
	[sflag:s30] =	ssyncadd.s32 $0xFFFFE000  }
0x16f: {  	s7 =	sand.u32 $0x1000, s14;
	s10 =	sand.u32 $0x800, s14;
	_ =	swait.ge @!p0 [sflag:s0], $0x2000  }
0x170: {  	s12 =	sand.u32 $0x380, s14;
	s3 =	sor.u32 s10, s7;
	[sflag:s0] =	ssyncset.done @!p0 $0x0  }
0x171: {  	s12 =	sor.u32 s12, s3;
	[sflag:s0] =	ssyncadd.s32 @!p0 $0xFFFFE000  }
0x172: {  	v5 =	vld [tilespmem:s12+$0xC7F0]  }
0x173: {  	v6 =	vld [tilespmem:s12+$0xE7F0]  }
0x174: {  	v7 =	vld [tilespmem:s12+$0xC380]  }
0x175: {  	v8 =	vld [tilespmem:s12+$0x107F0]  }
0x176: {  	v9 =	vld [tilespmem:s12+$0xE380]  }
0x177: {  	v10 =	vld [tilespmem:s12+$0xA7F0]  }
0x178: {  	v11 =	vld [tilespmem:s12+$0xC390]  }
0x179: {  	v12 =	vld [tilespmem:s12+$0xE390]  }
0x17a: {  	v13 =	vld [tilespmem:s12+$0xC3A0]  }
0x17b: {  	v14 =	vld [tilespmem:s12+$0xE3A0]  }
0x17c: {  	v15 =	vld [tilespmem:s12+$0xC3B0]  }
0x17d: {  	v16 =	vld [tilespmem:s12+$0xE3B0]  }
0x17e: {  	v17 =	vld [tilespmem:s12+$0xC3C0]  }
0x17f: {  	v18 =	vld [tilespmem:s12+$0xE3C0]  }
0x180: {  	v19 =	vld [tilespmem:s12+$0xC3D0]  }
0x181: {  	v20 =	vld [tilespmem:s12+$0xE3D0]  }
0x182: {  	v21 =	vld [tilespmem:s12+$0xC3E0]  }
0x183: {  	v22 =	vld [tilespmem:s12+$0xE3E0]  }
0x184: {  	v23 =	vld [tilespmem:s12+$0xC3F0]  }
0x185: {  	v24 =	vld [tilespmem:s12+$0xE3F0]  }
0x186: {  	v25 =	vld [tilespmem:s12+$0xC780]  }
0x187: {  	v26 =	vld [tilespmem:s12+$0xE780]  }
0x188: {  	v27 =	vld [tilespmem:s12+$0xC790]  }
0x189: {  	v28 =	vld [tilespmem:s12+$0xE790]  }
0x18a: {  	v29 =	vld [tilespmem:s12+$0xC7A0]  }
0x18b: {  	v30 =	vld [tilespmem:s12+$0xE7A0]  }
0x18c: {  	v31 =	vld [tilespmem:s12+$0xC7B0]  }
0x18d: {  	v32 =	vld [tilespmem:s12+$0xE7B0]  }
0x18e: {  	v33 =	vld [tilespmem:s12+$0xC7C0]  }
0x18f: {  	v34 =	vld [tilespmem:s12+$0xE7C0]  }
0x190: {  	v35 =	vld [tilespmem:s12+$0xC7D0]  }
0x191: {  	v36 =	vld [tilespmem:s12+$0xE7D0]  }
0x192: {  	v37 =	vld [tilespmem:s12+$0xE7E0]  }
0x193: {  	v38 =	vld [tilespmem:s12+$0x10390]  }
0x194: {  	v39 =	vld [tilespmem:s12+$0x103A0]  }
0x195: {  	v51 =	vld [tilespmem:s12+$0x10790]  }
0x196: {  	v54 =	vld [tilespmem:s12+$0x107A0]  }
0x197: {  	v59 =	vld [tilespmem:s12+$0xA3B0]  }
0x198: {  	v5 =	vadd.f32 v6, v5;
	v6 =	vld [tilespmem:s12+$0xC7E0];
	v7 =	vadd.f32 v9, v7  }
0x199: {  	v9 =	vld [tilespmem:s12+$0x103B0];
	v11 =	vadd.f32 v12, v11;
	v12 =	vadd.f32 v14, v13  }
0x19a: {  	v13 =	vadd.f32 v16, v15;
	v14 =	vld [tilespmem:s12+$0x103D0];
	v15 =	vadd.f32 v18, v17  }
0x19b: {  	v16 =	vadd.f32 v20, v19;
	v17 =	vld [tilespmem:s12+$0x103E0];
	v5 =	vadd.f32 v8, v5  }
0x19c: {  	v10 =	vmul.f32 v10, v3;
	v18 =	vadd.f32 v22, v21;
	v19 =	vadd.f32 v24, v23;
	v20 =	vld [tilespmem:s12+$0x103F0]  }
0x19d: {  	v21 =	vadd.f32 v26, v25;
	v22 =	vadd.f32 v28, v27;
	v8 =	vld [tilespmem:s12+$0x10380];
	v5 =	vmul.f32 v5, v4  }
0x19e: {  	v23 =	vld [tilespmem:s12+$0x10780];
	v49 =	vadd.f32 v30, v29;
	v50 =	vadd.f32 v32, v31  }
0x19f: {  	v9 =	vadd.f32 v9, v13;
	v10 =	vadd.f32 v5, v10;
	v5 =	vld [tilespmem:s12+$0x103C0]  }
0x1a0: {  	v13 =	vadd.f32 v14, v16;
	v16 =	vadd.f32 v17, v18;
	v17 =	vld [tilespmem:s12+$0x107E0]  }
0x1a1: {  	v52 =	vadd.f32 v34, v33;
	v18 =	vadd.f32 v20, v19;
	v20 =	vld [tilespmem:s12+$0xA380]  }
0x1a2: {  	v55 =	vadd.f32 v37, v6;
	v6 =	vadd.f32 v8, v7;
	v7 =	vld [tilespmem:s12+$0x107B0]  }
0x1a3: {  	v8 =	vadd.f32 v38, v11;
	v11 =	vadd.f32 v39, v12;
	v12 =	vld [tilespmem:s12+$0x107C0]  }
0x1a4: {  	v62 =	vmul.f32 v59, v3;
	v19 =	vadd.f32 v23, v21;
	v5 =	vadd.f32 v5, v15;
	v15 =	vld [tilespmem:s12+$0x107D0]  }
0x1a5: {  	v56 =	vmul.f32 v9, v4;
	v21 =	vmul.f32 v6, v4;
	v6 =	vadd.f32 v51, v22;
	v22 =	vld [tilespmem:s12+$0xA390]  }
0x1a6: {  	v57 =	vld [tilespmem:s12+$0xA3A0];
	v53 =	vadd.f32 v36, v35;
	v14 =	vmul.f32 v13, v4;
	v13 =	vmul.f32 v16, v4  }
0x1a7: {  	v9 =	vadd.f32 v54, v49;
	v16 =	vld [tilespmem:s12+$0xA3C0];
	v8 =	vmul.f32 v8, v4;
	v23 =	vmul.f32 v11, v4  }
0x1a8: {  	v11 =	vmul.f32 v18, v4;
	v60 =	vadd.f32 v17, v55;
	v6 =	vmul.f32 v6, v4  }
0x1a9: {  	v25 =	vadd.f32 v7, v50;
	v18 =	vadd.f32 v15, v53;
	v15 =	vmul.f32 v20, v3;
	v20 =	vld [tilespmem:s12+$0xA3D0]  }
0x1aa: {  	v61 =	vld [tilespmem:s12+$0xA3E0];
	v12 =	vadd.f32 v12, v52;
	v58 =	vmul.f32 v5, v4;
	v17 =	vmul.f32 v22, v3  }
0x1ab: {  	v5 =	vmul.f32 v19, v4;
	v19 =	vld [tilespmem:s12+$0xA3F0];
	v15 =	vadd.f32 v21, v15;
	v21 =	vmul.f32 v57, v3  }
0x1ac: {  	[tilespmem:s12+$0x127F0] =	vst v10;
	v7 =	vmul.f32 v9, v4;
	v63 =	vmul.f32 v16, v3;
	v22 =	vadd.f32 v8, v17;
	v17 =	vld [tilespmem:s12+$0xA780]  }
0x1ad: {  	v9 =	vmul.f32 v25, v4;
	v10 =	vmul.f32 v12, v4;
	[tilespmem:s12+$0x12380] =	vst v15;
	v21 =	vadd.f32 v23, v21;
	v15 =	vld [tilespmem:s12+$0xA790]  }
0x1ae: {  	v16 =	vld [tilespmem:s12+$0xA7A0];
	v8 =	vmul.f32 v60, v4;
	[tilespmem:s12+$0x12390] =	vst v22;
	v22 =	vadd.f32 v56, v62;
	v23 =	vmul.f32 v20, v3  }
0x1af: {  	s6 =	simm.s32 $0x100;
	s10 =	simm.s32 $0x0;
	s0 =	simm.s32 $0x800;
	v12 =	vmul.f32 v18, v4;
	v18 =	vld [tilespmem:s12+$0xA7B0];
	v20 =	vadd.f32 v58, v63;
	[tilespmem:s12+$0x123A0] =	vst v21;
	v21 =	vmul.f32 v61, v3  }
.LBB2_5:
0x1b0: {  	s3 =	sand.u32 $0x1000, s6;
	s7 =	sand.u32 $0x800, s0;
	[tilespmem:s12+$0x123B0] =	vst v22;
	v14 =	vadd.f32 v14, v23;
	v19 =	vmul.f32 v19, v3;
	v22 =	vld [tilespmem:s12+$0xA7C0];
	s14 =	sadd.s32 $0x40, s14  }
0x1b1: {  	s10 =	sadd.s32 $0x10, s10;
	s3 =	sor.u32 s7, s3;
	s7 =	sand.u32 $0x380, s14;
	[tilespmem:s12+$0x123C0] =	vst v20;
	v13 =	vadd.f32 v13, v21;
	v17 =	vmul.f32 v17, v3;
	v20 =	vld [tilespmem:s12+$0xA7D0]  }
0x1b2: {  	p0 =	slt.u32 s10, $0x1F0;
	s3 =	sor.u32 s7, s3;
	[tilespmem:s12+$0x123D0] =	vst v14;
	v11 =	vadd.f32 v11, v19;
	v14 =	vmul.f32 v15, v3;
	v15 =	vld [tilespmem:s12+$0xA7E0]  }
0x1b3: {  	v19 =	vld [tilespmem:s3+$0xC7F0];
	[tilespmem:s12+$0x123E0] =	vst v13;
	v5 =	vadd.f32 v5, v17;
	v13 =	vmul.f32 v16, v3  }
0x1b4: {  	v16 =	vld [tilespmem:s3+$0xE7F0];
	[tilespmem:s12+$0x123F0] =	vst v11;
	v6 =	vadd.f32 v6, v14;
	v11 =	vmul.f32 v18, v3  }
0x1b5: {  	v14 =	vld [tilespmem:s3+$0xC380];
	[tilespmem:s12+$0x12780] =	vst v5;
	v5 =	vadd.f32 v7, v13;
	v7 =	vmul.f32 v22, v3  }
0x1b6: {  	v13 =	vld [tilespmem:s3+$0x107F0];
	[tilespmem:s12+$0x12790] =	vst v6;
	v6 =	vadd.f32 v9, v11;
	v9 =	vmul.f32 v20, v3  }
0x1b7: {  	v11 =	vld [tilespmem:s3+$0xE380];
	[tilespmem:s12+$0x127A0] =	vst v5;
	v5 =	vadd.f32 v10, v7;
	v7 =	vmul.f32 v15, v3  }
0x1b8: {  	v10 =	vld [tilespmem:s3+$0xA7F0];
	[tilespmem:s12+$0x127B0] =	vst v6;
	v6 =	vadd.f32 v12, v9  }
0x1b9: {  	v9 =	vld [tilespmem:s3+$0xC390];
	v12 =	vadd.f32 v16, v19;
	[tilespmem:s12+$0x127C0] =	vst v5;
	v5 =	vadd.f32 v8, v7  }
0x1ba: {  	v7 =	vld [tilespmem:s3+$0xE390];
	[tilespmem:s12+$0x127D0] =	vst v6  }
0x1bb: {  	v6 =	vld [tilespmem:s3+$0xC3A0];
	v8 =	vadd.f32 v13, v12;
	[tilespmem:s12+$0x127E0] =	vst v5;
	s12 =	smov.u32 s3  }
0x1bc: {  	v5 =	vadd.f32 v11, v14;
	v11 =	vld [tilespmem:s12+$0xE3A0]  }
0x1bd: {  	v12 =	vld [tilespmem:s12+$0xC3B0];
	v10 =	vmul.f32 v10, v3;
	v8 =	vmul.f32 v8, v4  }
0x1be: {  	v13 =	vld [tilespmem:s12+$0xE3B0]  }
0x1bf: {  	v7 =	vadd.f32 v7, v9;
	v9 =	vld [tilespmem:s12+$0xC3C0];
	v8 =	vadd.f32 v8, v10  }
0x1c0: {  	v10 =	vld [tilespmem:s12+$0xE3C0]  }
0x1c1: {  	v6 =	vadd.f32 v11, v6;
	v11 =	vld [tilespmem:s12+$0xC3D0];
	[tilespmem:s12+$0x127F0] =	vst v8  }
0x1c2: {  	v8 =	vld [tilespmem:s12+$0xE3D0]  }
0x1c3: {  	v12 =	vadd.f32 v13, v12;
	v13 =	vld [tilespmem:s12+$0xC3E0]  }
0x1c4: {  	v14 =	vld [tilespmem:s12+$0xE3E0]  }
0x1c5: {  	v9 =	vadd.f32 v10, v9;
	v10 =	vld [tilespmem:s12+$0xC3F0]  }
0x1c6: {  	v15 =	vld [tilespmem:s12+$0xE3F0]  }
0x1c7: {  	v8 =	vadd.f32 v8, v11;
	v11 =	vld [tilespmem:s12+$0xC780]  }
0x1c8: {  	v16 =	vld [tilespmem:s12+$0xE780]  }
0x1c9: {  	v13 =	vadd.f32 v14, v13;
	v14 =	vld [tilespmem:s12+$0xC790]  }
0x1ca: {  	v17 =	vld [tilespmem:s12+$0xE790]  }
0x1cb: {  	v10 =	vadd.f32 v15, v10;
	v15 =	vld [tilespmem:s12+$0xC7A0]  }
0x1cc: {  	v18 =	vld [tilespmem:s12+$0xE7A0]  }
0x1cd: {  	v11 =	vadd.f32 v16, v11;
	v16 =	vld [tilespmem:s12+$0xC7B0]  }
0x1ce: {  	v19 =	vld [tilespmem:s12+$0xE7B0]  }
0x1cf: {  	v17 =	vadd.f32 v17, v14;
	v14 =	vld [tilespmem:s12+$0xC7C0]  }
0x1d0: {  	v20 =	vld [tilespmem:s12+$0xE7C0]  }
0x1d1: {  	v15 =	vadd.f32 v18, v15;
	v18 =	vld [tilespmem:s12+$0xC7D0]  }
0x1d2: {  	v21 =	vld [tilespmem:s12+$0xE7D0]  }
0x1d3: {  	v16 =	vadd.f32 v19, v16;
	v19 =	vld [tilespmem:s12+$0xC7E0]  }
0x1d4: {  	v22 =	vld [tilespmem:s12+$0xE7E0]  }
0x1d5: {  	v23 =	vld [tilespmem:s12+$0x10380];
	v20 =	vadd.f32 v20, v14  }
0x1d6: {  	v14 =	vld [tilespmem:s12+$0x10390]  }
0x1d7: {  	v24 =	vld [tilespmem:s12+$0x103A0];
	v18 =	vadd.f32 v21, v18  }
0x1d8: {  	v21 =	vld [tilespmem:s12+$0x103B0]  }
0x1d9: {  	v25 =	vld [tilespmem:s12+$0x103C0];
	v19 =	vadd.f32 v22, v19  }
0x1da: {  	v5 =	vadd.f32 v23, v5;
	v22 =	vld [tilespmem:s12+$0x103D0]  }
0x1db: {  	v7 =	vadd.f32 v14, v7;
	v14 =	vld [tilespmem:s12+$0x103E0]  }
0x1dc: {  	v23 =	vmul.f32 v5, v4;
	v5 =	vadd.f32 v24, v6;
	v6 =	vld [tilespmem:s12+$0x103F0]  }
0x1dd: {  	v24 =	vmul.f32 v7, v4;
	v7 =	vadd.f32 v21, v12;
	v12 =	vld [tilespmem:s12+$0x10780]  }
0x1de: {  	v21 =	vmul.f32 v5, v4;
	v5 =	vadd.f32 v25, v9;
	v9 =	vld [tilespmem:s12+$0x10790]  }
0x1df: {  	v25 =	vmul.f32 v7, v4;
	v7 =	vadd.f32 v22, v8;
	v8 =	vld [tilespmem:s12+$0x107A0]  }
0x1e0: {  	v26 =	vmul.f32 v5, v4;
	v5 =	vadd.f32 v14, v13;
	v22 =	vld [tilespmem:s12+$0x107B0]  }
0x1e1: {  	v14 =	vmul.f32 v7, v4;
	v6 =	vadd.f32 v6, v10;
	v10 =	vld [tilespmem:s12+$0x107C0]  }
0x1e2: {  	v13 =	vmul.f32 v5, v4;
	v5 =	vadd.f32 v12, v11;
	v12 =	vld [tilespmem:s12+$0x107D0]  }
0x1e3: {  	v11 =	vmul.f32 v6, v4;
	v6 =	vadd.f32 v9, v17;
	v17 =	vld [tilespmem:s12+$0x107E0]  }
0x1e4: {  	v27 =	vld [tilespmem:s12+$0xA380];
	v5 =	vmul.f32 v5, v4;
	v7 =	vadd.f32 v8, v15  }
0x1e5: {  	v8 =	vld [tilespmem:s12+$0xA390];
	v6 =	vmul.f32 v6, v4;
	v9 =	vadd.f32 v22, v16  }
0x1e6: {  	v15 =	vld [tilespmem:s12+$0xA3A0];
	v7 =	vmul.f32 v7, v4;
	v10 =	vadd.f32 v10, v20  }
0x1e7: {  	v16 =	vld [tilespmem:s12+$0xA3B0];
	v9 =	vmul.f32 v9, v4;
	v12 =	vadd.f32 v12, v18  }
0x1e8: {  	v18 =	vld [tilespmem:s12+$0xA3C0];
	v10 =	vmul.f32 v10, v4;
	v17 =	vadd.f32 v17, v19  }
0x1e9: {  	v19 =	vmul.f32 v27, v3;
	v20 =	vld [tilespmem:s12+$0xA3D0];
	v12 =	vmul.f32 v12, v4  }
0x1ea: {  	v22 =	vmul.f32 v8, v3;
	v27 =	vld [tilespmem:s12+$0xA3E0];
	v8 =	vmul.f32 v17, v4  }
.Ltmp3:
0x1eb: {  	v23 =	vadd.f32 v23, v19;
	v15 =	vmul.f32 v15, v3;
	v19 =	vld [tilespmem:s12+$0xA3F0];
	(pc) =	sbr.rel @p0 .LBB2_5-.Ltmp3, $4  }
0x1ec: {  	v22 =	vadd.f32 v24, v22;
	v16 =	vmul.f32 v16, v3;
	v17 =	vld [tilespmem:s12+$0xA780]  }
0x1ed: {  	[tilespmem:s12+$0x12380] =	vst v23;
	v21 =	vadd.f32 v21, v15;
	v18 =	vmul.f32 v18, v3;
	v15 =	vld [tilespmem:s12+$0xA790]  }
0x1ee: {  	[tilespmem:s12+$0x12390] =	vst v22;
	v22 =	vadd.f32 v25, v16;
	v23 =	vmul.f32 v20, v3;
	v16 =	vld [tilespmem:s12+$0xA7A0]  }
0x1ef: {  	s0 =	sadd.s32 $0x800, s0;
	s6 =	sadd.s32 $0x100, s6;
	[tilespmem:s12+$0x123A0] =	vst v21;
	v20 =	vadd.f32 v26, v18;
	v21 =	vmul.f32 v27, v3;
	v18 =	vld [tilespmem:s12+$0xA7B0]  }
0x1f0: {  	[tilespmem:s12+$0x123B0] =	vst v22;
	v14 =	vadd.f32 v14, v23;
	v19 =	vmul.f32 v19, v3;
	v57 =	vld [tilespmem:s12+$0xA7C0]  }
0x1f1: {  	v58 =	vld [tilespmem:s12+$0xA7D0];
	[tilespmem:s12+$0x123C0] =	vst v20;
	v13 =	vadd.f32 v13, v21;
	v17 =	vmul.f32 v17, v3  }
0x1f2: {  	v60 =	vld [tilespmem:s12+$0xA7E0];
	[tilespmem:s12+$0x123D0] =	vst v14;
	v11 =	vadd.f32 v11, v19;
	v59 =	vmul.f32 v15, v3  }
0x1f3: {  	[tilespmem:s12+$0x123E0] =	vst v13;
	v5 =	vadd.f32 v5, v17;
	v61 =	vmul.f32 v16, v3  }
0x1f4: {  	[tilespmem:s12+$0x123F0] =	vst v11;
	v6 =	vadd.f32 v6, v59;
	v62 =	vmul.f32 v18, v3  }
0x1f5: {  	[tilespmem:s12+$0x12780] =	vst v5;
	v5 =	vadd.f32 v7, v61;
	v7 =	vmul.f32 v57, v3  }
0x1f6: {  	v63 =	vmul.f32 v58, v3;
	[tilespmem:s12+$0x12790] =	vst v6;
	v6 =	vadd.f32 v9, v62  }
0x1f7: {  	[tilespmem:s12+$0x127A0] =	vst v5;
	v5 =	vadd.f32 v10, v7;
	v7 =	vmul.f32 v60, v3  }
.Ltmp4:
0x1f8: {  	s0 =	sadd.s32 s9, s5;
	[tilespmem:s12+$0x127B0] =	vst v6;
	v6 =	vadd.f32 v12, v63;
	(pc) =	sbr.rel @p1 .LBB2_8-.Ltmp4, $4  }
0x1f9: {  	s3 =	rddreg [dreg:$0x2];
	s0 =	sshll.u32 s0, $0x6;
	[tilespmem:s12+$0x127C0] =	vst v5;
	v5 =	vadd.f32 v8, v7  }
0x1fa: {  	s0 =	sadd.s32 s3, s0;
	[tilespmem:s12+$0x127D0] =	vst v6  }
0x1fb: {  	s0 =	sadd.s32 $0x400, s0;
	[tilespmem:s12+$0x127E0] =	vst v5  }
0x1fc: {  	[hbm4b:s0+s4] =	stream.linear.scatter [tilespmem:s31], [sflag:$0x4], $0x2000, $0x38;
	[tilespmem:$0x14380] =	vst v63  }
0x1fd: {  	s0 =	sadd.s32 $0x30, s9  }
0x1fe: {  	s0 =	sadd.s32 s5, s0  }
0x1ff: {  	s0 =	sshll.u32 s0, $0x6  }
0x200: {  	s0 =	sadd.s32 s1, s0  }
0x201: {  	[tilespmem:s2], [sflag:$0x2] =	stream.linear.gather [hbm4b:s0+s4], $0x2000, $0x38;
	[tilespmem:$0x14380] =	vst v63  }
0x202: {  	v5 =	vld [tilespmem:s9+$0x30];
	_ =	sdelay $0x4  }
0x203: {  	v6 =	vshll.u32 v5, $0x2  }
0x204: {  	v5 =	vand.u32 $0x7, v5;
	v6 =	vand.u32 $0xFFFFFFE0, v6  }
0x205: {  	v5 =	vor.u32 v5, v6  }
0x206: {  	v6 =	vperm.xlane v5, v0;
	_ =	sdelay $0x1  }
0x207: {  	v6 =	vadd.s32 v1, v6;
	_ =	sdelay $0x1  }
0x208: {  	v5 =	vperm.xlane v5, v2;
	_ =	sdelay $0x1  }
0x209: {  	v5 =	vadd.s32 v1, v5  }
0x20a: {  	[tilespmem:s15], [sflag:$0x2] =	stream.indirect_vreg.gather [hbm4b:s1+s4], $0x80, v6, vm0, $0xb8;
	[tilespmem:$0x14380] =	vst v63  }
0x20b: {  	_ = 	snop  }
0x20c: {  	[tilespmem:s16], [sflag:$0x2] =	stream.indirect_vreg.gather [hbm4b:s11+s4], $0x80, v6, vm0, $0xb8;
	[tilespmem:$0x14380] =	vst v63  }
0x20d: {  	_ = 	snop  }
0x20e: {  	[tilespmem:s17], [sflag:$0x2] =	stream.indirect_vreg.gather [hbm4b:s1+s4], $0x80, v5, vm0, $0xb8;
	[tilespmem:$0x14380] =	vst v63  }
0x20f: {  	_ = 	snop  }
0x210: {  	[tilespmem:s19], [sflag:$0x2] =	stream.indirect_vreg.gather [hbm4b:s11+s4], $0x80, v5, vm0, $0xb8;
	[tilespmem:$0x14380] =	vst v63  }
0x211: {  	v5 =	vld [tilespmem:s9+$0x130];
	_ =	sdelay $0x4  }
0x212: {  	v6 =	vshll.u32 v5, $0x2  }
0x213: {  	v5 =	vand.u32 $0x7, v5;
	v6 =	vand.u32 $0xFFFFFFE0, v6  }
0x214: {  	v5 =	vor.u32 v5, v6  }
0x215: {  	v6 =	vperm.xlane v5, v0;
	_ =	sdelay $0x1  }
0x216: {  	v6 =	vadd.s32 v1, v6;
	_ =	sdelay $0x1  }
0x217: {  	v5 =	vperm.xlane v5, v2;
	_ =	sdelay $0x1  }
0x218: {  	v5 =	vadd.s32 v1, v5  }
0x219: {  	[tilespmem:s20], [sflag:$0x2] =	stream.indirect_vreg.gather [hbm4b:s1+s4], $0x80, v6, vm0, $0xb8;
	[tilespmem:$0x14380] =	vst v63  }
0x21a: {  	_ = 	snop  }
0x21b: {  	[tilespmem:s21], [sflag:$0x2] =	stream.indirect_vreg.gather [hbm4b:s11+s4], $0x80, v6, vm0, $0xb8;
	[tilespmem:$0x14380] =	vst v63  }
0x21c: {  	_ = 	snop  }
0x21d: {  	[tilespmem:s22], [sflag:$0x2] =	stream.indirect_vreg.gather [hbm4b:s1+s4], $0x80, v5, vm0, $0xb8;
	[tilespmem:$0x14380] =	vst v63  }
0x21e: {  	_ = 	snop  }
0x21f: {  	[tilespmem:s23], [sflag:$0x2] =	stream.indirect_vreg.gather [hbm4b:s11+s4], $0x80, v5, vm0, $0xb8;
	[tilespmem:$0x14380] =	vst v63  }
0x220: {  	v5 =	vld [tilespmem:s9+$0x230];
	_ =	sdelay $0x4  }
0x221: {  	v6 =	vshll.u32 v5, $0x2  }
0x222: {  	v5 =	vand.u32 $0x7, v5;
	v6 =	vand.u32 $0xFFFFFFE0, v6  }
0x223: {  	v5 =	vor.u32 v5, v6  }
0x224: {  	v6 =	vperm.xlane v5, v0;
	_ =	sdelay $0x1  }
0x225: {  	v6 =	vadd.s32 v1, v6;
	_ =	sdelay $0x2  }
0x226: {  	v5 =	vperm.xlane v5, v2;
	_ =	sdelay $0x1  }
0x227: {  	v5 =	vadd.s32 v1, v5;
	[tilespmem:s24], [sflag:$0x2] =	stream.indirect_vreg.gather [hbm4b:s1+s4], $0x80, v6, vm0, $0xb8;
	[tilespmem:$0x14380] =	vst v63  }
0x228: {  	_ = 	snop  }
0x229: {  	[tilespmem:s25], [sflag:$0x2] =	stream.indirect_vreg.gather [hbm4b:s11+s4], $0x80, v6, vm0, $0xb8;
	[tilespmem:$0x14380] =	vst v63  }
.Ltmp5:
0x22a: {  	_ = 	snop;
	(pc) =	sbr.rel .LBB2_2-.Ltmp5, $4  }
0x22b: {  	_ = 	snop  }
0x22c: {  	[tilespmem:s26], [sflag:$0x2] =	stream.indirect_vreg.gather [hbm4b:s1+s4], $0x80, v5, vm0, $0xb8;
	[tilespmem:$0x14380] =	vst v63  }
0x22d: {  	s8 =	sadd.s32 $0x1, s8  }
0x22e: {  	[tilespmem:s28], [sflag:$0x2] =	stream.indirect_vreg.gather [hbm4b:s11+s4], $0x80, v5, vm0, $0xb8;
	[tilespmem:$0x14380] =	vst v63  }
.LBB2_9:
0x22f: {  	_ =	sfence.sel $0x180000  }
0x230: {  	[bflag:$0x0] =	sbarrier.arrive $0xFFFF  }
0x231: {  	_ =	strace $0x90000047  }
0x232: {  	s0 =	stileid.u32;
	[bflag:$0x2] =	sbarrier.arrive $0xFFFF  }
0x233: {  	p0 =	sne.s32 s0, $0x0;
	s0 =	rddreg [dreg:$0x3]  }
0x234: {  	s0 =	sadd.s32 @!p0 $0x100000, s0  }
0x235: {  	[sflag:s0] =	ssyncadd.tile.s32 @!p0 $0x1;
	_ =	shalt  }
.Lfunc_end2:
_tile_overlayer_lowered:
.L_overlay_start_2:
0x236: {  	(tag) =	ssettag $0x2  }
0x237: {  	s0 =	rddreg [dreg:$0x0];
	s2 =	stileid.u32  }
0x238: {  	s1 =	rddreg [dreg:$0x1];
	p0 =	sne.s32 s2, $0x0  }
0x239: {  	s3 =	rddreg [dreg:$0x2];
	[bflag:$0x3] =	sbarrier.arrive $0xFFFF;
	s2 =	simm.s32 @!p0 $0x1C05  }
0x23a: {  	[timem:s3], [sflag:s2] =	dma.local @!p0 [hbm:s0], s1  }
0x23b: {  	s0 =	simm.s32 @!p0 $0x5  }
0x23c: {  	_ =	swait.ge @!p0 [sflag:s0], s1  }
0x23d: {  	s1 =	ssub.s32 @!p0 $0x0, s1;
	[sflag:s0] =	ssyncset.done @!p0 $0x0  }
0x23e: {  	[sflag:s0] =	ssyncadd.s32 @!p0 s1  }
0x23f: {  	[bflag:$0x3] =	sbarrier.arrive $0xFFFF  }
0x240: {  	_ =	shalt  }

</sc_bundles>
